<compile_context>
chip_gen: v7x
topology: tpu7x:2x2x1
jax: 0.10.2.dev20260603
libtpu: 0.0.44.dev20260713+nightly
codegen_flags: <defaults>
</compile_context>

<pallas_src>
import functools

import jax
import jax.numpy as jnp
from jax.experimental import pallas as pl
from jax.experimental.pallas import tpu as pltpu
from jax.experimental.pallas import tpu_sc as plsc

L = 128
P = 4
U = 32
D = L * P
TB = 2048


@functools.partial(
    pl.kernel,
    out_type=jax.ShapeDtypeStruct((U, D), jnp.float32),
    mesh=plsc.VectorSubcoreMesh(core_axis_name="c", subcore_axis_name="s"),
    compiler_params=pltpu.CompilerParams(needs_layout_passes=False),
    scratch_types=[
        pltpu.VMEM((2 * U,), jnp.int32),
        pltpu.VMEM((D,), jnp.float32),
    ],
)
def _build_g(idx_hbm, g_hbm, idxv, row_v):
    nc = plsc.get_sparse_core_info().num_cores
    wid = jax.lax.axis_index("s") * nc + jax.lax.axis_index("c")
    pltpu.sync_copy(idx_hbm, idxv)
    lane = jax.lax.iota(jnp.int32, 16)
    hi = jnp.full((16,), wid // 16, jnp.int32) == 1
    u_vec = jnp.where(hi, idxv[pl.ds(16, 16)], idxv[pl.ds(0, 16)])
    m_vec = jnp.where(hi, idxv[pl.ds(48, 16)], idxv[pl.ds(32, 16)])
    mask = lane == jnp.full((16,), wid % 16, jnp.int32)
    zero16 = jnp.zeros((16,), jnp.int32)
    uiw = jnp.full((16,), jnp.sum(jnp.where(mask, u_vec, zero16)), jnp.int32)
    muiw = jnp.full((16,), jnp.sum(jnp.where(mask, m_vec, zero16)), jnp.int32)
    for c in range(D // 16):
        l = (lane + c * 16) // P
        row_v[pl.ds(c * 16, 16)] = ((l == uiw).astype(jnp.float32)
                                    + (l == muiw).astype(jnp.float32))
    pltpu.sync_copy(row_v, g_hbm.at[wid])


def _fused(x_ref, g_ref, w1_ref, b1_ref, w2_ref, b2_ref,
           wd1_ref, bd1_ref, wd2_ref, bd2_ref, q_ref):
    x = x_ref[...]
    bf = lambda a: a.astype(jnp.bfloat16)
    x16 = bf(x)
    h = jnp.tanh(bf(jnp.dot(x16, bf(w1_ref[...]),
                            preferred_element_type=jnp.float32)
                    + b1_ref[...]))
    logits = jnp.dot(h, bf(w2_ref[...]),
                     preferred_element_type=jnp.float32) + b2_ref[...]
    m = jnp.max(logits, axis=1, keepdims=True)
    e = jnp.exp(logits - m)
    y = e / jnp.sum(e, axis=1, keepdims=True)

    turn = x[:, P:2 * P]
    budgets = jnp.max(x[:, 0:P], axis=1, keepdims=True)
    pid = jnp.argmax(turn, axis=1)[:, None]

    j = jax.lax.broadcasted_iota(jnp.int32, (TB, D), 1)
    z = jnp.where(j == pid, jnp.bfloat16(0.0), x16)

    s_exp = bf(jnp.dot(bf(y), bf(g_ref[...]),
                       preferred_element_type=jnp.float32))
    pcol = jax.lax.broadcasted_iota(jnp.int32, (P, D), 1) % P
    prow = jax.lax.broadcasted_iota(jnp.int32, (P, D), 0)
    f = (pcol == prow).astype(jnp.bfloat16)
    tt_exp = bf(jnp.dot(bf(budgets * turn), f,
                        preferred_element_type=jnp.float32))
    x2 = z + s_exp * tt_exp

    hd = jnp.tanh(bf(jnp.dot(x2, bf(wd1_ref[...]),
                             preferred_element_type=jnp.float32)
                     + bd1_ref[...]))
    out = jnp.dot(hd, bf(wd2_ref[...]),
                  preferred_element_type=jnp.float32) + bd2_ref[...]
    q_ref[...] = jnp.sum(out * turn, axis=1, keepdims=True)


def kernel(data, unit_indices, moveable_unit_indices,
           W1, b1, W2, b2, Wd1, bd1, Wd2, bd2):
    batch = data.shape[0]
    idx = jnp.concatenate([unit_indices.astype(jnp.int32),
                           moveable_unit_indices.astype(jnp.int32)])
    g = _build_g(idx)
    rep = lambda shape: pl.BlockSpec(shape, lambda i: (0, 0))
    q = pl.pallas_call(
        _fused,
        grid=(batch // TB,),
        in_specs=[
            pl.BlockSpec((TB, D), lambda i: (i, 0)),
            rep((U, D)),
            rep((D, H := W1.shape[1])), rep((1, H)),
            rep((H, U)), rep((1, U)),
            rep((D, H)), rep((1, H)),
            rep((H, P)), rep((1, P)),
        ],
        out_specs=pl.BlockSpec((TB, 1), lambda i: (i, 0)),
        out_shape=jax.ShapeDtypeStruct((batch, 1), jnp.float32),
    )(data, g, W1, b1.reshape(1, -1), W2, b2.reshape(1, -1),
      Wd1, bd1.reshape(1, -1), Wd2, bd2.reshape(1, -1))
    return q.reshape(batch)

# --- scband reference (transcript-rebuilt; emitter-appended) ---
"""Pipeline reference for scband-placing-network-38293928411861 (READ-ONLY COPY).

The authoritative reference and input builder live on the scoring server;
editing this copy changes nothing except your own understanding.
"""

import jax, jax.numpy as jnp
import numpy as np

B = 16384
L = 128   # BoardEncoder.index_length
P = 4     # num_players
H = 1024  # hidden dim of placing and downstream MLPs
U = 32    # number of unit indices
BUDGET_INDEX = 0
TURN_INDEX = 1


def setup_inputs(seed: int = 0) -> dict:
    key = jax.random.key(seed)
    ks = jax.random.split(key, 12)
    data = jax.random.normal(ks[0], (B, L * P), dtype=jnp.float32)
    unit_indices = jax.random.randint(ks[1], (U,), 2, L)
    moveable_unit_indices = jax.random.randint(ks[2], (U,), 2, L)
    W1 = jax.random.normal(ks[3], (L * P, H), dtype=jnp.float32) * 0.02
    b1 = jnp.zeros((H,), dtype=jnp.float32)
    W2 = jax.random.normal(ks[4], (H, U), dtype=jnp.float32) * 0.02
    b2 = jnp.zeros((U,), dtype=jnp.float32)
    Wd1 = jax.random.normal(ks[5], (L * P, H), dtype=jnp.float32) * 0.02
    bd1 = jnp.zeros((H,), dtype=jnp.float32)
    Wd2 = jax.random.normal(ks[6], (H, P), dtype=jnp.float32) * 0.02
    bd2 = jnp.zeros((P,), dtype=jnp.float32)
    return {"data": data, "unit_indices": unit_indices,
            "moveable_unit_indices": moveable_unit_indices,
            "W1": W1, "b1": b1, "W2": W2, "b2": b2,
            "Wd1": Wd1, "bd1": bd1, "Wd2": Wd2, "bd2": bd2}


def reference(data, unit_indices, moveable_unit_indices,
              W1, b1, W2, b2, Wd1, bd1, Wd2, bd2):
    batch = data.shape[0]
    boards = data.reshape(-1, L, P)
    # budgets = max over players of budget row
    budgets = jnp.max(boards[:, BUDGET_INDEX], axis=1)            # [B]
    playerOneHot = boards[:, TURN_INDEX]                          # [B, P]
    playerIds = jnp.argmax(playerOneHot, axis=1)                  # [B]
    flat = boards.reshape(-1, L * P)
    # placing network: self(boards) -> y in [B, U]
    h = jnp.tanh(flat @ W1 + b1)
    y = jax.nn.softmax(h @ W2 + b2, axis=-1)                      # [B, U]
    boards = flat.reshape(-1, L, P)
    # tensor_scatter_nd_update: zero out current player's budget entry
    boards = boards.at[jnp.arange(batch), BUDGET_INDEX, playerIds].set(0.0)
    boards_t = jnp.transpose(boards, (1, 0, 2))                   # [L, B, P]
    values = budgets[:, None] * y                                 # [B, U]
    values = jnp.transpose(values, (1, 0))                        # [U, B]
    values = values[:, :, None] * boards_t[TURN_INDEX][None, :, :]  # [U, B, P]
    # tensor_scatter_nd_add along board-index axis
    boards_t = boards_t.at[unit_indices].add(values)
    boards_t = boards_t.at[moveable_unit_indices].add(values)
    boards = jnp.transpose(boards_t, (1, 0, 2)).reshape(-1, L * P)
    # downstream network -> per-player values [B, P]
    hd = jnp.tanh(boards @ Wd1 + bd1)
    out = hd @ Wd2 + bd2
    q = jnp.sum(out * playerOneHot, axis=1)                       # [B]
    return q

if __name__ == "__main__":
    import jax
    _d = setup_inputs()
    print(jax.jit(kernel)(*tuple(_d.values())))

</pallas_src>

<mosaic_0001>
#map = affine_map<(d0, d1) -> (0)>
#map1 = affine_map<(d0, d1) -> (0, 0)>
module attributes {stable_mosaic.version = 14 : i64} {
  func.func @_build_g(%arg0: i32, %arg1: i32, %arg2: memref<64xi32, #tpu.memory_space<hbm>>, %arg3: memref<32x512xf32, #tpu.memory_space<hbm>>, %arg4: memref<64xi32, #tpu.memory_space<vmem>>, %arg5: memref<512xf32, #tpu.memory_space<vmem>>) attributes {dimension_semantics = [#tpu.dimension_semantics<core_parallel>, #tpu.dimension_semantics<subcore_parallel>], iteration_bounds = array<i64: 2, 16>, scalar_prefetch = 0 : i64, scratch_operands = 2 : i64, tpu.core_type = #tpu.core_type<sc_vector_subcore>, window_params = [{transform_indices = #map}, {transform_indices = #map1}]} {
    %mul3A = arith.constant 2 : i32
    %mul3A_0 = arith.muli %arg1, %mul3A : i32
    %add3A = arith.addi %mul3A_0, %arg0 : i32
    "tpu.region"() ({
      %run_scoped3A = tpu.sem_alloc : memref<!tpu.dma_semaphore, #tpu.memory_space<semaphore_mem>>
      tpu.enqueue_dma source(%arg2 : memref<64xi32, #tpu.memory_space<hbm>>) target(%arg4 : memref<64xi32, #tpu.memory_space<vmem>>) target_semaphore(%run_scoped3A : memref<!tpu.dma_semaphore, #tpu.memory_space<semaphore_mem>>)
      tpu.wait_dma2 semaphore(%run_scoped3A : memref<!tpu.dma_semaphore, #tpu.memory_space<semaphore_mem>>) src(%arg2 : memref<64xi32, #tpu.memory_space<hbm>>) dst(%arg4 : memref<64xi32, #tpu.memory_space<vmem>>)
      tpu.yield
    }) : () -> ()
    %iota3A = tpu.iota {dimensions = array<i32: 0>} : vector<16xi32>
    %jit3A = arith.constant 16 : i32
    %div3A = arith.divsi %add3A, %jit3A : i32
    %sign3A = arith.constant 0 : i32
    %sign3A_1 = arith.cmpi sgt, %add3A, %sign3A : i32
    %sign3A_2 = arith.extui %sign3A_1 : i1 to i32
    %sign3A_3 = arith.constant 0 : i32
    %sign3A_4 = arith.cmpi slt, %add3A, %sign3A_3 : i32
    %sign3A_5 = arith.extui %sign3A_4 : i1 to i32
    %sign3A_6 = arith.subi %sign3A_2, %sign3A_5 : i32
    %sign3A_7 = arith.constant 0 : i32
    %sign3A_8 = arith.cmpi sgt, %jit3A, %sign3A_7 : i32
    %sign3A_9 = arith.extui %sign3A_8 : i1 to i32
    %sign3A_10 = arith.constant 0 : i32
    %sign3A_11 = arith.cmpi slt, %jit3A, %sign3A_10 : i32
    %sign3A_12 = arith.extui %sign3A_11 : i1 to i32
    %sign3A_13 = arith.subi %sign3A_9, %sign3A_12 : i32
    %ne3A = arith.cmpi ne, %sign3A_6, %sign3A_13 : i32
    %rem3A = arith.remsi %add3A, %jit3A : i32
    %ne3A_14 = arith.constant 0 : i32
    %ne3A_15 = arith.cmpi ne, %rem3A, %ne3A_14 : i32
    %and3A = arith.andi %ne3A, %ne3A_15 : i1
    %sub3A = arith.constant 1 : i32
    %sub3A_16 = arith.subi %div3A, %sub3A : i32
    %select_n3A = arith.select %and3A, %sub3A_16, %div3A : i32
    %broadcast_in_dim3A = vector.broadcast %select_n3A : i32 to vector<16xi32>
    %eq3A = arith.constant 1 : i32
    %eq3A_17 = vector.broadcast %eq3A : i32 to vector<16xi32>
    %eq3A_18 = arith.cmpi eq, %broadcast_in_dim3A, %eq3A_17 : vector<16xi32>
    %get3A = arith.constant 16 : index
    %get3A_19 = tpu.vector_load %arg4[%get3A] {strides = array<i32>} : memref<64xi32, #tpu.memory_space<vmem>>, vector<16xi32>,
    %get3A_20 = arith.constant 0 : index
    %get3A_21 = tpu.vector_load %arg4[%get3A_20] {strides = array<i32>} : memref<64xi32, #tpu.memory_space<vmem>>, vector<16xi32>,
    %select_n3A_22 = arith.select %eq3A_18, %get3A_19, %get3A_21 : vector<16xi1>, vector<16xi32>
    %get3A_23 = arith.constant 48 : index
    %get3A_24 = tpu.vector_load %arg4[%get3A_23] {strides = array<i32>} : memref<64xi32, #tpu.memory_space<vmem>>, vector<16xi32>,
    %get3A_25 = arith.constant 32 : index
    %get3A_26 = tpu.vector_load %arg4[%get3A_25] {strides = array<i32>} : memref<64xi32, #tpu.memory_space<vmem>>, vector<16xi32>,
    %select_n3A_27 = arith.select %eq3A_18, %get3A_24, %get3A_26 : vector<16xi1>, vector<16xi32>
    %jit3A_28 = arith.constant 16 : i32
    %eq3A_29 = arith.constant 0 : i32
    %eq3A_30 = arith.cmpi eq, %jit3A_28, %eq3A_29 : i32
    %jit3A_31 = arith.constant 1 : i32
    %select_n3A_32 = arith.select %eq3A_30, %jit3A_31, %jit3A_28 : i32
    %rem3A_33 = arith.remsi %add3A, %select_n3A_32 : i32
    %ne3A_34 = arith.constant 0 : i32
    %ne3A_35 = arith.cmpi ne, %rem3A_33, %ne3A_34 : i32
    %lt3A = arith.constant 0 : i32
    %lt3A_36 = arith.cmpi slt, %rem3A_33, %lt3A : i32
    %lt3A_37 = arith.constant 0 : i32
    %lt3A_38 = arith.cmpi slt, %select_n3A_32, %lt3A_37 : i32
    %ne3A_39 = arith.xori %lt3A_36, %lt3A_38 : i1
    %and3A_40 = arith.andi %ne3A_39, %ne3A_35 : i1
    %add3A_41 = arith.addi %rem3A_33, %select_n3A_32 : i32
    %select_n3A_42 = arith.select %and3A_40, %add3A_41, %rem3A_33 : i32
    %broadcast_in_dim3A_43 = vector.broadcast %select_n3A_42 : i32 to vector<16xi32>
    %eq3A_44 = arith.cmpi eq, %iota3A, %broadcast_in_dim3A_43 : vector<16xi32>
    %broadcast_in_dim3A_45 = arith.constant 0 : i32
    %broadcast_in_dim3A_46 = vector.broadcast %broadcast_in_dim3A_45 : i32 to vector<16xi32>
    %select_n3A_47 = arith.select %eq3A_44, %select_n3A_22, %broadcast_in_dim3A_46 : vector<16xi1>, vector<16xi32>
    %reduce_sum3A = arith.constant true
    %reduce_sum3A_48 = vector.broadcast %reduce_sum3A : i1 to vector<16xi1>
    %reduce_sum3A_49 = tpu.scan <sum>, %select_n3A_47 masked %reduce_sum3A_48 : vector<16xi32>, vector<16xi1> -> vector<16xi32>
    %reduce_sum3A_50 = vector.extract %reduce_sum3A_49[15] : i32 from vector<16xi32>
    %broadcast_in_dim3A_51 = vector.broadcast %reduce_sum3A_50 : i32 to vector<16xi32>
    %select_n3A_52 = arith.select %eq3A_44, %select_n3A_27, %broadcast_in_dim3A_46 : vector<16xi1>, vector<16xi32>
    %reduce_sum3A_53 = arith.constant true
    %reduce_sum3A_54 = vector.broadcast %reduce_sum3A_53 : i1 to vector<16xi1>
    %reduce_sum3A_55 = tpu.scan <sum>, %select_n3A_52 masked %reduce_sum3A_54 : vector<16xi32>, vector<16xi1> -> vector<16xi32>
    %reduce_sum3A_56 = vector.extract %reduce_sum3A_55[15] : i32 from vector<16xi32>
    %broadcast_in_dim3A_57 = vector.broadcast %reduce_sum3A_56 : i32 to vector<16xi32>
    %add3A_58 = arith.constant 0 : i32
    %add3A_59 = vector.broadcast %add3A_58 : i32 to vector<16xi32>
    %add3A_60 = arith.addi %iota3A, %add3A_59 : vector<16xi32>
    %jit3A_61 = arith.constant 4 : i32
    %div3A_62 = vector.broadcast %jit3A_61 : i32 to vector<16xi32>
    %div3A_63 = arith.divsi %add3A_60, %div3A_62 : vector<16xi32>
    %sign3A_64 = arith.constant 0 : i32
    %sign3A_65 = vector.broadcast %sign3A_64 : i32 to vector<16xi32>
    %sign3A_66 = arith.cmpi sgt, %add3A_60, %sign3A_65 : vector<16xi32>
    %sign3A_67 = arith.extui %sign3A_66 : vector<16xi1> to vector<16xi32>
    %sign3A_68 = arith.constant 0 : i32
    %sign3A_69 = vector.broadcast %sign3A_68 : i32 to vector<16xi32>
    %sign3A_70 = arith.cmpi slt, %add3A_60, %sign3A_69 : vector<16xi32>
    %sign3A_71 = arith.extui %sign3A_70 : vector<16xi1> to vector<16xi32>
    %sign3A_72 = arith.subi %sign3A_67, %sign3A_71 : vector<16xi32>
    %sign3A_73 = arith.constant 0 : i32
    %sign3A_74 = arith.cmpi sgt, %jit3A_61, %sign3A_73 : i32
    %sign3A_75 = arith.extui %sign3A_74 : i1 to i32
    %sign3A_76 = arith.constant 0 : i32
    %sign3A_77 = arith.cmpi slt, %jit3A_61, %sign3A_76 : i32
    %sign3A_78 = arith.extui %sign3A_77 : i1 to i32
    %sign3A_79 = arith.subi %sign3A_75, %sign3A_78 : i32
    %ne3A_80 = vector.broadcast %sign3A_79 : i32 to vector<16xi32>
    %ne3A_81 = arith.cmpi ne, %sign3A_72, %ne3A_80 : vector<16xi32>
    %rem3A_82 = vector.broadcast %jit3A_61 : i32 to vector<16xi32>
    %rem3A_83 = arith.remsi %add3A_60, %rem3A_82 : vector<16xi32>
    %ne3A_84 = arith.constant 0 : i32
    %ne3A_85 = vector.broadcast %ne3A_84 : i32 to vector<16xi32>
    %ne3A_86 = arith.cmpi ne, %rem3A_83, %ne3A_85 : vector<16xi32>
    %and3A_87 = arith.andi %ne3A_81, %ne3A_86 : vector<16xi1>
    %sub3A_88 = arith.constant 1 : i32
    %sub3A_89 = vector.broadcast %sub3A_88 : i32 to vector<16xi32>
    %sub3A_90 = arith.subi %div3A_63, %sub3A_89 : vector<16xi32>
    %select_n3A_91 = arith.select %and3A_87, %sub3A_90, %div3A_63 : vector<16xi1>, vector<16xi32>
    %eq3A_92 = arith.cmpi eq, %select_n3A_91, %broadcast_in_dim3A_51 : vector<16xi32>
    %convert_element_type3A = arith.extui %eq3A_92 : vector<16xi1> to vector<16xi32>
    %convert_element_type3A_93 = arith.sitofp %convert_element_type3A : vector<16xi32> to vector<16xf32>
    %eq3A_94 = arith.cmpi eq, %select_n3A_91, %broadcast_in_dim3A_57 : vector<16xi32>
    %convert_element_type3A_95 = arith.extui %eq3A_94 : vector<16xi1> to vector<16xi32>
    %convert_element_type3A_96 = arith.sitofp %convert_element_type3A_95 : vector<16xi32> to vector<16xf32>
    %add3A_97 = arith.addf %convert_element_type3A_93, %convert_element_type3A_96 : vector<16xf32>
    %swap3A = arith.constant 0 : index
    %swap3A_98 = tpu.vector_load %arg5[%swap3A] {strides = array<i32>} : memref<512xf32, #tpu.memory_space<vmem>>, vector<16xf32>,
    tpu.vector_store %arg5[%swap3A], %add3A_97 {strides = array<i32>} : memref<512xf32, #tpu.memory_space<vmem>>, vector<16xf32>,
    %add3A_99 = arith.constant 16 : i32
    %add3A_100 = vector.broadcast %add3A_99 : i32 to vector<16xi32>
    %add3A_101 = arith.addi %iota3A, %add3A_100 : vector<16xi32>
    %jit3A_102 = arith.constant 4 : i32
    %div3A_103 = vector.broadcast %jit3A_102 : i32 to vector<16xi32>
    %div3A_104 = arith.divsi %add3A_101, %div3A_103 : vector<16xi32>
    %sign3A_105 = arith.constant 0 : i32
    %sign3A_106 = vector.broadcast %sign3A_105 : i32 to vector<16xi32>
    %sign3A_107 = arith.cmpi sgt, %add3A_101, %sign3A_106 : vector<16xi32>
    %sign3A_108 = arith.extui %sign3A_107 : vector<16xi1> to vector<16xi32>
    %sign3A_109 = arith.constant 0 : i32
    %sign3A_110 = vector.broadcast %sign3A_109 : i32 to vector<16xi32>
    %sign3A_111 = arith.cmpi slt, %add3A_101, %sign3A_110 : vector<16xi32>
    %sign3A_112 = arith.extui %sign3A_111 : vector<16xi1> to vector<16xi32>
    %sign3A_113 = arith.subi %sign3A_108, %sign3A_112 : vector<16xi32>
    %sign3A_114 = arith.constant 0 : i32
    %sign3A_115 = arith.cmpi sgt, %jit3A_102, %sign3A_114 : i32
    %sign3A_116 = arith.extui %sign3A_115 : i1 to i32
    %sign3A_117 = arith.constant 0 : i32
    %sign3A_118 = arith.cmpi slt, %jit3A_102, %sign3A_117 : i32
    %sign3A_119 = arith.extui %sign3A_118 : i1 to i32
    %sign3A_120 = arith.subi %sign3A_116, %sign3A_119 : i32
    %ne3A_121 = vector.broadcast %sign3A_120 : i32 to vector<16xi32>
    %ne3A_122 = arith.cmpi ne, %sign3A_113, %ne3A_121 : vector<16xi32>
    %rem3A_123 = vector.broadcast %jit3A_102 : i32 to vector<16xi32>
    %rem3A_124 = arith.remsi %add3A_101, %rem3A_123 : vector<16xi32>
    %ne3A_125 = arith.constant 0 : i32
    %ne3A_126 = vector.broadcast %ne3A_125 : i32 to vector<16xi32>
    %ne3A_127 = arith.cmpi ne, %rem3A_124, %ne3A_126 : vector<16xi32>
    %and3A_128 = arith.andi %ne3A_122, %ne3A_127 : vector<16xi1>
    %sub3A_129 = arith.constant 1 : i32
    %sub3A_130 = vector.broadcast %sub3A_129 : i32 to vector<16xi32>
    %sub3A_131 = arith.subi %div3A_104, %sub3A_130 : vector<16xi32>
    %select_n3A_132 = arith.select %and3A_128, %sub3A_131, %div3A_104 : vector<16xi1>, vector<16xi32>
    %eq3A_133 = arith.cmpi eq, %select_n3A_132, %broadcast_in_dim3A_51 : vector<16xi32>
    %convert_element_type3A_134 = arith.extui %eq3A_133 : vector<16xi1> to vector<16xi32>
    %convert_element_type3A_135 = arith.sitofp %convert_element_type3A_134 : vector<16xi32> to vector<16xf32>
    %eq3A_136 = arith.cmpi eq, %select_n3A_132, %broadcast_in_dim3A_57 : vector<16xi32>
    %convert_element_type3A_137 = arith.extui %eq3A_136 : vector<16xi1> to vector<16xi32>
    %convert_element_type3A_138 = arith.sitofp %convert_element_type3A_137 : vector<16xi32> to vector<16xf32>
    %add3A_139 = arith.addf %convert_element_type3A_135, %convert_element_type3A_138 : vector<16xf32>
    %swap3A_140 = arith.constant 16 : index
    %swap3A_141 = tpu.vector_load %arg5[%swap3A_140] {strides = array<i32>} : memref<512xf32, #tpu.memory_space<vmem>>, vector<16xf32>,
    tpu.vector_store %arg5[%swap3A_140], %add3A_139 {strides = array<i32>} : memref<512xf32, #tpu.memory_space<vmem>>, vector<16xf32>,
    %add3A_142 = arith.constant 32 : i32
    %add3A_143 = vector.broadcast %add3A_142 : i32 to vector<16xi32>
    %add3A_144 = arith.addi %iota3A, %add3A_143 : vector<16xi32>
    %jit3A_145 = arith.constant 4 : i32
    %div3A_146 = vector.broadcast %jit3A_145 : i32 to vector<16xi32>
    %div3A_147 = arith.divsi %add3A_144, %div3A_146 : vector<16xi32>
    %sign3A_148 = arith.constant 0 : i32
    %sign3A_149 = vector.broadcast %sign3A_148 : i32 to vector<16xi32>
    %sign3A_150 = arith.cmpi sgt, %add3A_144, %sign3A_149 : vector<16xi32>
    %sign3A_151 = arith.extui %sign3A_150 : vector<16xi1> to vector<16xi32>
    %sign3A_152 = arith.constant 0 : i32
    %sign3A_153 = vector.broadcast %sign3A_152 : i32 to vector<16xi32>
    %sign3A_154 = arith.cmpi slt, %add3A_144, %sign3A_153 : vector<16xi32>
    %sign3A_155 = arith.extui %sign3A_154 : vector<16xi1> to vector<16xi32>
    %sign3A_156 = arith.subi %sign3A_151, %sign3A_155 : vector<16xi32>
    %sign3A_157 = arith.constant 0 : i32
    %sign3A_158 = arith.cmpi sgt, %jit3A_145, %sign3A_157 : i32
    %sign3A_159 = arith.extui %sign3A_158 : i1 to i32
    %sign3A_160 = arith.constant 0 : i32
    %sign3A_161 = arith.cmpi slt, %jit3A_145, %sign3A_160 : i32
    %sign3A_162 = arith.extui %sign3A_161 : i1 to i32
    %sign3A_163 = arith.subi %sign3A_159, %sign3A_162 : i32
    %ne3A_164 = vector.broadcast %sign3A_163 : i32 to vector<16xi32>
    %ne3A_165 = arith.cmpi ne, %sign3A_156, %ne3A_164 : vector<16xi32>
    %rem3A_166 = vector.broadcast %jit3A_145 : i32 to vector<16xi32>
    %rem3A_167 = arith.remsi %add3A_144, %rem3A_166 : vector<16xi32>
    %ne3A_168 = arith.constant 0 : i32
    %ne3A_169 = vector.broadcast %ne3A_168 : i32 to vector<16xi32>
    %ne3A_170 = arith.cmpi ne, %rem3A_167, %ne3A_169 : vector<16xi32>
    %and3A_171 = arith.andi %ne3A_165, %ne3A_170 : vector<16xi1>
    %sub3A_172 = arith.constant 1 : i32
    %sub3A_173 = vector.broadcast %sub3A_172 : i32 to vector<16xi32>
    %sub3A_174 = arith.subi %div3A_147, %sub3A_173 : vector<16xi32>
    %select_n3A_175 = arith.select %and3A_171, %sub3A_174, %div3A_147 : vector<16xi1>, vector<16xi32>
    %eq3A_176 = arith.cmpi eq, %select_n3A_175, %broadcast_in_dim3A_51 : vector<16xi32>
    %convert_element_type3A_177 = arith.extui %eq3A_176 : vector<16xi1> to vector<16xi32>
    %convert_element_type3A_178 = arith.sitofp %convert_element_type3A_177 : vector<16xi32> to vector<16xf32>
    %eq3A_179 = arith.cmpi eq, %select_n3A_175, %broadcast_in_dim3A_57 : vector<16xi32>
    %convert_element_type3A_180 = arith.extui %eq3A_179 : vector<16xi1> to vector<16xi32>
    %convert_element_type3A_181 = arith.sitofp %convert_element_type3A_180 : vector<16xi32> to vector<16xf32>
    %add3A_182 = arith.addf %convert_element_type3A_178, %convert_element_type3A_181 : vector<16xf32>
    %swap3A_183 = arith.constant 32 : index
    %swap3A_184 = tpu.vector_load %arg5[%swap3A_183] {strides = array<i32>} : memref<512xf32, #tpu.memory_space<vmem>>, vector<16xf32>,
    tpu.vector_store %arg5[%swap3A_183], %add3A_182 {strides = array<i32>} : memref<512xf32, #tpu.memory_space<vmem>>, vector<16xf32>,
    %add3A_185 = arith.constant 48 : i32
    %add3A_186 = vector.broadcast %add3A_185 : i32 to vector<16xi32>
    %add3A_187 = arith.addi %iota3A, %add3A_186 : vector<16xi32>
    %jit3A_188 = arith.constant 4 : i32
    %div3A_189 = vector.broadcast %jit3A_188 : i32 to vector<16xi32>
    %div3A_190 = arith.divsi %add3A_187, %div3A_189 : vector<16xi32>
    %sign3A_191 = arith.constant 0 : i32
    %sign3A_192 = vector.broadcast %sign3A_191 : i32 to vector<16xi32>
    %sign3A_193 = arith.cmpi sgt, %add3A_187, %sign3A_192 : vector<16xi32>
    %sign3A_194 = arith.extui %sign3A_193 : vector<16xi1> to vector<16xi32>
    %sign3A_195 = arith.constant 0 : i32
    %sign3A_196 = vector.broadcast %sign3A_195 : i32 to vector<16xi32>
    %sign3A_197 = arith.cmpi slt, %add3A_187, %sign3A_196 : vector<16xi32>
    %sign3A_198 = arith.extui %sign3A_197 : vector<16xi1> to vector<16xi32>
    %sign3A_199 = arith.subi %sign3A_194, %sign3A_198 : vector<16xi32>
    %sign3A_200 = arith.constant 0 : i32
    %sign3A_201 = arith.cmpi sgt, %jit3A_188, %sign3A_200 : i32
    %sign3A_202 = arith.extui %sign3A_201 : i1 to i32
    %sign3A_203 = arith.constant 0 : i32
    %sign3A_204 = arith.cmpi slt, %jit3A_188, %sign3A_203 : i32
    %sign3A_205 = arith.extui %sign3A_204 : i1 to i32
    %sign3A_206 = arith.subi %sign3A_202, %sign3A_205 : i32
    %ne3A_207 = vector.broadcast %sign3A_206 : i32 to vector<16xi32>
    %ne3A_208 = arith.cmpi ne, %sign3A_199, %ne3A_207 : vector<16xi32>
    %rem3A_209 = vector.broadcast %jit3A_188 : i32 to vector<16xi32>
    %rem3A_210 = arith.remsi %add3A_187, %rem3A_209 : vector<16xi32>
    %ne3A_211 = arith.constant 0 : i32
    %ne3A_212 = vector.broadcast %ne3A_211 : i32 to vector<16xi32>
    %ne3A_213 = arith.cmpi ne, %rem3A_210, %ne3A_212 : vector<16xi32>
    %and3A_214 = arith.andi %ne3A_208, %ne3A_213 : vector<16xi1>
    %sub3A_215 = arith.constant 1 : i32
    %sub3A_216 = vector.broadcast %sub3A_215 : i32 to vector<16xi32>
    %sub3A_217 = arith.subi %div3A_190, %sub3A_216 : vector<16xi32>
    %select_n3A_218 = arith.select %and3A_214, %sub3A_217, %div3A_190 : vector<16xi1>, vector<16xi32>
    %eq3A_219 = arith.cmpi eq, %select_n3A_218, %broadcast_in_dim3A_51 : vector<16xi32>
    %convert_element_type3A_220 = arith.extui %eq3A_219 : vector<16xi1> to vector<16xi32>
    %convert_element_type3A_221 = arith.sitofp %convert_element_type3A_220 : vector<16xi32> to vector<16xf32>
    %eq3A_222 = arith.cmpi eq, %select_n3A_218, %broadcast_in_dim3A_57 : vector<16xi32>
    %convert_element_type3A_223 = arith.extui %eq3A_222 : vector<16xi1> to vector<16xi32>
    %convert_element_type3A_224 = arith.sitofp %convert_element_type3A_223 : vector<16xi32> to vector<16xf32>
    %add3A_225 = arith.addf %convert_element_type3A_221, %convert_element_type3A_224 : vector<16xf32>
    %swap3A_226 = arith.constant 48 : index
    %swap3A_227 = tpu.vector_load %arg5[%swap3A_226] {strides = array<i32>} : memref<512xf32, #tpu.memory_space<vmem>>, vector<16xf32>,
    tpu.vector_store %arg5[%swap3A_226], %add3A_225 {strides = array<i32>} : memref<512xf32, #tpu.memory_space<vmem>>, vector<16xf32>,
    %add3A_228 = arith.constant 64 : i32
    %add3A_229 = vector.broadcast %add3A_228 : i32 to vector<16xi32>
    %add3A_230 = arith.addi %iota3A, %add3A_229 : vector<16xi32>
    %jit3A_231 = arith.constant 4 : i32
    %div3A_232 = vector.broadcast %jit3A_231 : i32 to vector<16xi32>
    %div3A_233 = arith.divsi %add3A_230, %div3A_232 : vector<16xi32>
    %sign3A_234 = arith.constant 0 : i32
    %sign3A_235 = vector.broadcast %sign3A_234 : i32 to vector<16xi32>
    %sign3A_236 = arith.cmpi sgt, %add3A_230, %sign3A_235 : vector<16xi32>
    %sign3A_237 = arith.extui %sign3A_236 : vector<16xi1> to vector<16xi32>
    %sign3A_238 = arith.constant 0 : i32
    %sign3A_239 = vector.broadcast %sign3A_238 : i32 to vector<16xi32>
    %sign3A_240 = arith.cmpi slt, %add3A_230, %sign3A_239 : vector<16xi32>
    %sign3A_241 = arith.extui %sign3A_240 : vector<16xi1> to vector<16xi32>
    %sign3A_242 = arith.subi %sign3A_237, %sign3A_241 : vector<16xi32>
    %sign3A_243 = arith.constant 0 : i32
    %sign3A_244 = arith.cmpi sgt, %jit3A_231, %sign3A_243 : i32
    %sign3A_245 = arith.extui %sign3A_244 : i1 to i32
    %sign3A_246 = arith.constant 0 : i32
    %sign3A_247 = arith.cmpi slt, %jit3A_231, %sign3A_246 : i32
    %sign3A_248 = arith.extui %sign3A_247 : i1 to i32
    %sign3A_249 = arith.subi %sign3A_245, %sign3A_248 : i32
    %ne3A_250 = vector.broadcast %sign3A_249 : i32 to vector<16xi32>
    %ne3A_251 = arith.cmpi ne, %sign3A_242, %ne3A_250 : vector<16xi32>
    %rem3A_252 = vector.broadcast %jit3A_231 : i32 to vector<16xi32>
    %rem3A_253 = arith.remsi %add3A_230, %rem3A_252 : vector<16xi32>
    %ne3A_254 = arith.constant 0 : i32
    %ne3A_255 = vector.broadcast %ne3A_254 : i32 to vector<16xi32>
    %ne3A_256 = arith.cmpi ne, %rem3A_253, %ne3A_255 : vector<16xi32>
    %and3A_257 = arith.andi %ne3A_251, %ne3A_256 : vector<16xi1>
    %sub3A_258 = arith.constant 1 : i32
    %sub3A_259 = vector.broadcast %sub3A_258 : i32 to vector<16xi32>
    %sub3A_260 = arith.subi %div3A_233, %sub3A_259 : vector<16xi32>
    %select_n3A_261 = arith.select %and3A_257, %sub3A_260, %div3A_233 : vector<16xi1>, vector<16xi32>
    %eq3A_262 = arith.cmpi eq, %select_n3A_261, %broadcast_in_dim3A_51 : vector<16xi32>
    %convert_element_type3A_263 = arith.extui %eq3A_262 : vector<16xi1> to vector<16xi32>
    %convert_element_type3A_264 = arith.sitofp %convert_element_type3A_263 : vector<16xi32> to vector<16xf32>
    %eq3A_265 = arith.cmpi eq, %select_n3A_261, %broadcast_in_dim3A_57 : vector<16xi32>
    %convert_element_type3A_266 = arith.extui %eq3A_265 : vector<16xi1> to vector<16xi32>
    %convert_element_type3A_267 = arith.sitofp %convert_element_type3A_266 : vector<16xi32> to vector<16xf32>
    %add3A_268 = arith.addf %convert_element_type3A_264, %convert_element_type3A_267 : vector<16xf32>
    %swap3A_269 = arith.constant 64 : index
    %swap3A_270 = tpu.vector_load %arg5[%swap3A_269] {strides = array<i32>} : memref<512xf32, #tpu.memory_space<vmem>>, vector<16xf32>,
    tpu.vector_store %arg5[%swap3A_269], %add3A_268 {strides = array<i32>} : memref<512xf32, #tpu.memory_space<vmem>>, vector<16xf32>,
    %add3A_271 = arith.constant 80 : i32
    %add3A_272 = vector.broadcast %add3A_271 : i32 to vector<16xi32>
    %add3A_273 = arith.addi %iota3A, %add3A_272 : vector<16xi32>
    %jit3A_274 = arith.constant 4 : i32
    %div3A_275 = vector.broadcast %jit3A_274 : i32 to vector<16xi32>
    %div3A_276 = arith.divsi %add3A_273, %div3A_275 : vector<16xi32>
    %sign3A_277 = arith.constant 0 : i32
    %sign3A_278 = vector.broadcast %sign3A_277 : i32 to vector<16xi32>
    %sign3A_279 = arith.cmpi sgt, %add3A_273, %sign3A_278 : vector<16xi32>
    %sign3A_280 = arith.extui %sign3A_279 : vector<16xi1> to vector<16xi32>
    %sign3A_281 = arith.constant 0 : i32
    %sign3A_282 = vector.broadcast %sign3A_281 : i32 to vector<16xi32>
    %sign3A_283 = arith.cmpi slt, %add3A_273, %sign3A_282 : vector<16xi32>
    %sign3A_284 = arith.extui %sign3A_283 : vector<16xi1> to vector<16xi32>
    %sign3A_285 = arith.subi %sign3A_280, %sign3A_284 : vector<16xi32>
    %sign3A_286 = arith.constant 0 : i32
    %sign3A_287 = arith.cmpi sgt, %jit3A_274, %sign3A_286 : i32
    %sign3A_288 = arith.extui %sign3A_287 : i1 to i32
    %sign3A_289 = arith.constant 0 : i32
    %sign3A_290 = arith.cmpi slt, %jit3A_274, %sign3A_289 : i32
    %sign3A_291 = arith.extui %sign3A_290 : i1 to i32
    %sign3A_292 = arith.subi %sign3A_288, %sign3A_291 : i32
    %ne3A_293 = vector.broadcast %sign3A_292 : i32 to vector<16xi32>
    %ne3A_294 = arith.cmpi ne, %sign3A_285, %ne3A_293 : vector<16xi32>
    %rem3A_295 = vector.broadcast %jit3A_274 : i32 to vector<16xi32>
    %rem3A_296 = arith.remsi %add3A_273, %rem3A_295 : vector<16xi32>
    %ne3A_297 = arith.constant 0 : i32
    %ne3A_298 = vector.broadcast %ne3A_297 : i32 to vector<16xi32>
    %ne3A_299 = arith.cmpi ne, %rem3A_296, %ne3A_298 : vector<16xi32>
    %and3A_300 = arith.andi %ne3A_294, %ne3A_299 : vector<16xi1>
    %sub3A_301 = arith.constant 1 : i32
    %sub3A_302 = vector.broadcast %sub3A_301 : i32 to vector<16xi32>
    %sub3A_303 = arith.subi %div3A_276, %sub3A_302 : vector<16xi32>
    %select_n3A_304 = arith.select %and3A_300, %sub3A_303, %div3A_276 : vector<16xi1>, vector<16xi32>
    %eq3A_305 = arith.cmpi eq, %select_n3A_304, %broadcast_in_dim3A_51 : vector<16xi32>
    %convert_element_type3A_306 = arith.extui %eq3A_305 : vector<16xi1> to vector<16xi32>
    %convert_element_type3A_307 = arith.sitofp %convert_element_type3A_306 : vector<16xi32> to vector<16xf32>
    %eq3A_308 = arith.cmpi eq, %select_n3A_304, %broadcast_in_dim3A_57 : vector<16xi32>
    %convert_element_type3A_309 = arith.extui %eq3A_308 : vector<16xi1> to vector<16xi32>
    %convert_element_type3A_310 = arith.sitofp %convert_element_type3A_309 : vector<16xi32> to vector<16xf32>
    %add3A_311 = arith.addf %convert_element_type3A_307, %convert_element_type3A_310 : vector<16xf32>
    %swap3A_312 = arith.constant 80 : index
    %swap3A_313 = tpu.vector_load %arg5[%swap3A_312] {strides = array<i32>} : memref<512xf32, #tpu.memory_space<vmem>>, vector<16xf32>,
    tpu.vector_store %arg5[%swap3A_312], %add3A_311 {strides = array<i32>} : memref<512xf32, #tpu.memory_space<vmem>>, vector<16xf32>,
    %add3A_314 = arith.constant 96 : i32
    %add3A_315 = vector.broadcast %add3A_314 : i32 to vector<16xi32>
    %add3A_316 = arith.addi %iota3A, %add3A_315 : vector<16xi32>
    %jit3A_317 = arith.constant 4 : i32
    %div3A_318 = vector.broadcast %jit3A_317 : i32 to vector<16xi32>
    %div3A_319 = arith.divsi %add3A_316, %div3A_318 : vector<16xi32>
    %sign3A_320 = arith.constant 0 : i32
    %sign3A_321 = vector.broadcast %sign3A_320 : i32 to vector<16xi32>
    %sign3A_322 = arith.cmpi sgt, %add3A_316, %sign3A_321 : vector<16xi32>
    %sign3A_323 = arith.extui %sign3A_322 : vector<16xi1> to vector<16xi32>
    %sign3A_324 = arith.constant 0 : i32
    %sign3A_325 = vector.broadcast %sign3A_324 : i32 to vector<16xi32>
    %sign3A_326 = arith.cmpi slt, %add3A_316, %sign3A_325 : vector<16xi32>
    %sign3A_327 = arith.extui %sign3A_326 : vector<16xi1> to vector<16xi32>
    %sign3A_328 = arith.subi %sign3A_323, %sign3A_327 : vector<16xi32>
    %sign3A_329 = arith.constant 0 : i32
    %sign3A_330 = arith.cmpi sgt, %jit3A_317, %sign3A_329 : i32
    %sign3A_331 = arith.extui %sign3A_330 : i1 to i32
    %sign3A_332 = arith.constant 0 : i32
    %sign3A_333 = arith.cmpi slt, %jit3A_317, %sign3A_332 : i32
    %sign3A_334 = arith.extui %sign3A_333 : i1 to i32
    %sign3A_335 = arith.subi %sign3A_331, %sign3A_334 : i32
    %ne3A_336 = vector.broadcast %sign3A_335 : i32 to vector<16xi32>
    %ne3A_337 = arith.cmpi ne, %sign3A_328, %ne3A_336 : vector<16xi32>
    %rem3A_338 = vector.broadcast %jit3A_317 : i32 to vector<16xi32>
    %rem3A_339 = arith.remsi %add3A_316, %rem3A_338 : vector<16xi32>
    %ne3A_340 = arith.constant 0 : i32
    %ne3A_341 = vector.broadcast %ne3A_340 : i32 to vector<16xi32>
    %ne3A_342 = arith.cmpi ne, %rem3A_339, %ne3A_341 : vector<16xi32>
    %and3A_343 = arith.andi %ne3A_337, %ne3A_342 : vector<16xi1>
    %sub3A_344 = arith.constant 1 : i32
    %sub3A_345 = vector.broadcast %sub3A_344 : i32 to vector<16xi32>
    %sub3A_346 = arith.subi %div3A_319, %sub3A_345 : vector<16xi32>
    %select_n3A_347 = arith.select %and3A_343, %sub3A_346, %div3A_319 : vector<16xi1>, vector<16xi32>
    %eq3A_348 = arith.cmpi eq, %select_n3A_347, %broadcast_in_dim3A_51 : vector<16xi32>
    %convert_element_type3A_349 = arith.extui %eq3A_348 : vector<16xi1> to vector<16xi32>
    %convert_element_type3A_350 = arith.sitofp %convert_element_type3A_349 : vector<16xi32> to vector<16xf32>
    %eq3A_351 = arith.cmpi eq, %select_n3A_347, %broadcast_in_dim3A_57 : vector<16xi32>
    %convert_element_type3A_352 = arith.extui %eq3A_351 : vector<16xi1> to vector<16xi32>
    %convert_element_type3A_353 = arith.sitofp %convert_element_type3A_352 : vector<16xi32> to vector<16xf32>
    %add3A_354 = arith.addf %convert_element_type3A_350, %convert_element_type3A_353 : vector<16xf32>
    %swap3A_355 = arith.constant 96 : index
    %swap3A_356 = tpu.vector_load %arg5[%swap3A_355] {strides = array<i32>} : memref<512xf32, #tpu.memory_space<vmem>>, vector<16xf32>,
    tpu.vector_store %arg5[%swap3A_355], %add3A_354 {strides = array<i32>} : memref<512xf32, #tpu.memory_space<vmem>>, vector<16xf32>,
    %add3A_357 = arith.constant 112 : i32
    %add3A_358 = vector.broadcast %add3A_357 : i32 to vector<16xi32>
    %add3A_359 = arith.addi %iota3A, %add3A_358 : vector<16xi32>
    %jit3A_360 = arith.constant 4 : i32
    %div3A_361 = vector.broadcast %jit3A_360 : i32 to vector<16xi32>
    %div3A_362 = arith.divsi %add3A_359, %div3A_361 : vector<16xi32>
    %sign3A_363 = arith.constant 0 : i32
    %sign3A_364 = vector.broadcast %sign3A_363 : i32 to vector<16xi32>
    %sign3A_365 = arith.cmpi sgt, %add3A_359, %sign3A_364 : vector<16xi32>
    %sign3A_366 = arith.extui %sign3A_365 : vector<16xi1> to vector<16xi32>
    %sign3A_367 = arith.constant 0 : i32
    %sign3A_368 = vector.broadcast %sign3A_367 : i32 to vector<16xi32>
    %sign3A_369 = arith.cmpi slt, %add3A_359, %sign3A_368 : vector<16xi32>
    %sign3A_370 = arith.extui %sign3A_369 : vector<16xi1> to vector<16xi32>
    %sign3A_371 = arith.subi %sign3A_366, %sign3A_370 : vector<16xi32>
    %sign3A_372 = arith.constant 0 : i32
    %sign3A_373 = arith.cmpi sgt, %jit3A_360, %sign3A_372 : i32
    %sign3A_374 = arith.extui %sign3A_373 : i1 to i32
    %sign3A_375 = arith.constant 0 : i32
    %sign3A_376 = arith.cmpi slt, %jit3A_360, %sign3A_375 : i32
    %sign3A_377 = arith.extui %sign3A_376 : i1 to i32
    %sign3A_378 = arith.subi %sign3A_374, %sign3A_377 : i32
    %ne3A_379 = vector.broadcast %sign3A_378 : i32 to vector<16xi32>
    %ne3A_380 = arith.cmpi ne, %sign3A_371, %ne3A_379 : vector<16xi32>
    %rem3A_381 = vector.broadcast %jit3A_360 : i32 to vector<16xi32>
    %rem3A_382 = arith.remsi %add3A_359, %rem3A_381 : vector<16xi32>
    %ne3A_383 = arith.constant 0 : i32
    %ne3A_384 = vector.broadcast %ne3A_383 : i32 to vector<16xi32>
    %ne3A_385 = arith.cmpi ne, %rem3A_382, %ne3A_384 : vector<16xi32>
    %and3A_386 = arith.andi %ne3A_380, %ne3A_385 : vector<16xi1>
    %sub3A_387 = arith.constant 1 : i32
    %sub3A_388 = vector.broadcast %sub3A_387 : i32 to vector<16xi32>
    %sub3A_389 = arith.subi %div3A_362, %sub3A_388 : vector<16xi32>
    %select_n3A_390 = arith.select %and3A_386, %sub3A_389, %div3A_362 : vector<16xi1>, vector<16xi32>
    %eq3A_391 = arith.cmpi eq, %select_n3A_390, %broadcast_in_dim3A_51 : vector<16xi32>
    %convert_element_type3A_392 = arith.extui %eq3A_391 : vector<16xi1> to vector<16xi32>
    %convert_element_type3A_393 = arith.sitofp %convert_element_type3A_392 : vector<16xi32> to vector<16xf32>
    %eq3A_394 = arith.cmpi eq, %select_n3A_390, %broadcast_in_dim3A_57 : vector<16xi32>
    %convert_element_type3A_395 = arith.extui %eq3A_394 : vector<16xi1> to vector<16xi32>
    %convert_element_type3A_396 = arith.sitofp %convert_element_type3A_395 : vector<16xi32> to vector<16xf32>
    %add3A_397 = arith.addf %convert_element_type3A_393, %convert_element_type3A_396 : vector<16xf32>
    %swap3A_398 = arith.constant 112 : index
    %swap3A_399 = tpu.vector_load %arg5[%swap3A_398] {strides = array<i32>} : memref<512xf32, #tpu.memory_space<vmem>>, vector<16xf32>,
    tpu.vector_store %arg5[%swap3A_398], %add3A_397 {strides = array<i32>} : memref<512xf32, #tpu.memory_space<vmem>>, vector<16xf32>,
    %add3A_400 = arith.constant 128 : i32
    %add3A_401 = vector.broadcast %add3A_400 : i32 to vector<16xi32>
    %add3A_402 = arith.addi %iota3A, %add3A_401 : vector<16xi32>
    %jit3A_403 = arith.constant 4 : i32
    %div3A_404 = vector.broadcast %jit3A_403 : i32 to vector<16xi32>
    %div3A_405 = arith.divsi %add3A_402, %div3A_404 : vector<16xi32>
    %sign3A_406 = arith.constant 0 : i32
    %sign3A_407 = vector.broadcast %sign3A_406 : i32 to vector<16xi32>
    %sign3A_408 = arith.cmpi sgt, %add3A_402, %sign3A_407 : vector<16xi32>
    %sign3A_409 = arith.extui %sign3A_408 : vector<16xi1> to vector<16xi32>
    %sign3A_410 = arith.constant 0 : i32
    %sign3A_411 = vector.broadcast %sign3A_410 : i32 to vector<16xi32>
    %sign3A_412 = arith.cmpi slt, %add3A_402, %sign3A_411 : vector<16xi32>
    %sign3A_413 = arith.extui %sign3A_412 : vector<16xi1> to vector<16xi32>
    %sign3A_414 = arith.subi %sign3A_409, %sign3A_413 : vector<16xi32>
    %sign3A_415 = arith.constant 0 : i32
    %sign3A_416 = arith.cmpi sgt, %jit3A_403, %sign3A_415 : i32
    %sign3A_417 = arith.extui %sign3A_416 : i1 to i32
    %sign3A_418 = arith.constant 0 : i32
    %sign3A_419 = arith.cmpi slt, %jit3A_403, %sign3A_418 : i32
    %sign3A_420 = arith.extui %sign3A_419 : i1 to i32
    %sign3A_421 = arith.subi %sign3A_417, %sign3A_420 : i32
    %ne3A_422 = vector.broadcast %sign3A_421 : i32 to vector<16xi32>
    %ne3A_423 = arith.cmpi ne, %sign3A_414, %ne3A_422 : vector<16xi32>
    %rem3A_424 = vector.broadcast %jit3A_403 : i32 to vector<16xi32>
    %rem3A_425 = arith.remsi %add3A_402, %rem3A_424 : vector<16xi32>
    %ne3A_426 = arith.constant 0 : i32
    %ne3A_427 = vector.broadcast %ne3A_426 : i32 to vector<16xi32>
    %ne3A_428 = arith.cmpi ne, %rem3A_425, %ne3A_427 : vector<16xi32>
    %and3A_429 = arith.andi %ne3A_423, %ne3A_428 : vector<16xi1>
    %sub3A_430 = arith.constant 1 : i32
    %sub3A_431 = vector.broadcast %sub3A_430 : i32 to vector<16xi32>
    %sub3A_432 = arith.subi %div3A_405, %sub3A_431 : vector<16xi32>
    %select_n3A_433 = arith.select %and3A_429, %sub3A_432, %div3A_405 : vector<16xi1>, vector<16xi32>
    %eq3A_434 = arith.cmpi eq, %select_n3A_433, %broadcast_in_dim3A_51 : vector<16xi32>
    %convert_element_type3A_435 = arith.extui %eq3A_434 : vector<16xi1> to vector<16xi32>
    %convert_element_type3A_436 = arith.sitofp %convert_element_type3A_435 : vector<16xi32> to vector<16xf32>
    %eq3A_437 = arith.cmpi eq, %select_n3A_433, %broadcast_in_dim3A_57 : vector<16xi32>
    %convert_element_type3A_438 = arith.extui %eq3A_437 : vector<16xi1> to vector<16xi32>
    %convert_element_type3A_439 = arith.sitofp %convert_element_type3A_438 : vector<16xi32> to vector<16xf32>
    %add3A_440 = arith.addf %convert_element_type3A_436, %convert_element_type3A_439 : vector<16xf32>
    %swap3A_441 = arith.constant 128 : index
    %swap3A_442 = tpu.vector_load %arg5[%swap3A_441] {strides = array<i32>} : memref<512xf32, #tpu.memory_space<vmem>>, vector<16xf32>,
    tpu.vector_store %arg5[%swap3A_441], %add3A_440 {strides = array<i32>} : memref<512xf32, #tpu.memory_space<vmem>>, vector<16xf32>,
    %add3A_443 = arith.constant 144 : i32
    %add3A_444 = vector.broadcast %add3A_443 : i32 to vector<16xi32>
    %add3A_445 = arith.addi %iota3A, %add3A_444 : vector<16xi32>
    %jit3A_446 = arith.constant 4 : i32
    %div3A_447 = vector.broadcast %jit3A_446 : i32 to vector<16xi32>
    %div3A_448 = arith.divsi %add3A_445, %div3A_447 : vector<16xi32>
    %sign3A_449 = arith.constant 0 : i32
    %sign3A_450 = vector.broadcast %sign3A_449 : i32 to vector<16xi32>
    %sign3A_451 = arith.cmpi sgt, %add3A_445, %sign3A_450 : vector<16xi32>
    %sign3A_452 = arith.extui %sign3A_451 : vector<16xi1> to vector<16xi32>
    %sign3A_453 = arith.constant 0 : i32
    %sign3A_454 = vector.broadcast %sign3A_453 : i32 to vector<16xi32>
    %sign3A_455 = arith.cmpi slt, %add3A_445, %sign3A_454 : vector<16xi32>
    %sign3A_456 = arith.extui %sign3A_455 : vector<16xi1> to vector<16xi32>
    %sign3A_457 = arith.subi %sign3A_452, %sign3A_456 : vector<16xi32>
    %sign3A_458 = arith.constant 0 : i32
    %sign3A_459 = arith.cmpi sgt, %jit3A_446, %sign3A_458 : i32
    %sign3A_460 = arith.extui %sign3A_459 : i1 to i32
    %sign3A_461 = arith.constant 0 : i32
    %sign3A_462 = arith.cmpi slt, %jit3A_446, %sign3A_461 : i32
    %sign3A_463 = arith.extui %sign3A_462 : i1 to i32
    %sign3A_464 = arith.subi %sign3A_460, %sign3A_463 : i32
    %ne3A_465 = vector.broadcast %sign3A_464 : i32 to vector<16xi32>
    %ne3A_466 = arith.cmpi ne, %sign3A_457, %ne3A_465 : vector<16xi32>
    %rem3A_467 = vector.broadcast %jit3A_446 : i32 to vector<16xi32>
    %rem3A_468 = arith.remsi %add3A_445, %rem3A_467 : vector<16xi32>
    %ne3A_469 = arith.constant 0 : i32
    %ne3A_470 = vector.broadcast %ne3A_469 : i32 to vector<16xi32>
    %ne3A_471 = arith.cmpi ne, %rem3A_468, %ne3A_470 : vector<16xi32>
    %and3A_472 = arith.andi %ne3A_466, %ne3A_471 : vector<16xi1>
    %sub3A_473 = arith.constant 1 : i32
    %sub3A_474 = vector.broadcast %sub3A_473 : i32 to vector<16xi32>
    %sub3A_475 = arith.subi %div3A_448, %sub3A_474 : vector<16xi32>
    %select_n3A_476 = arith.select %and3A_472, %sub3A_475, %div3A_448 : vector<16xi1>, vector<16xi32>
    %eq3A_477 = arith.cmpi eq, %select_n3A_476, %broadcast_in_dim3A_51 : vector<16xi32>
    %convert_element_type3A_478 = arith.extui %eq3A_477 : vector<16xi1> to vector<16xi32>
    %convert_element_type3A_479 = arith.sitofp %convert_element_type3A_478 : vector<16xi32> to vector<16xf32>
    %eq3A_480 = arith.cmpi eq, %select_n3A_476, %broadcast_in_dim3A_57 : vector<16xi32>
    %convert_element_type3A_481 = arith.extui %eq3A_480 : vector<16xi1> to vector<16xi32>
    %convert_element_type3A_482 = arith.sitofp %convert_element_type3A_481 : vector<16xi32> to vector<16xf32>
    %add3A_483 = arith.addf %convert_element_type3A_479, %convert_element_type3A_482 : vector<16xf32>
    %swap3A_484 = arith.constant 144 : index
    %swap3A_485 = tpu.vector_load %arg5[%swap3A_484] {strides = array<i32>} : memref<512xf32, #tpu.memory_space<vmem>>, vector<16xf32>,
    tpu.vector_store %arg5[%swap3A_484], %add3A_483 {strides = array<i32>} : memref<512xf32, #tpu.memory_space<vmem>>, vector<16xf32>,
    %add3A_486 = arith.constant 160 : i32
    %add3A_487 = vector.broadcast %add3A_486 : i32 to vector<16xi32>
    %add3A_488 = arith.addi %iota3A, %add3A_487 : vector<16xi32>
    %jit3A_489 = arith.constant 4 : i32
    %div3A_490 = vector.broadcast %jit3A_489 : i32 to vector<16xi32>
    %div3A_491 = arith.divsi %add3A_488, %div3A_490 : vector<16xi32>
    %sign3A_492 = arith.constant 0 : i32
    %sign3A_493 = vector.broadcast %sign3A_492 : i32 to vector<16xi32>
    %sign3A_494 = arith.cmpi sgt, %add3A_488, %sign3A_493 : vector<16xi32>
    %sign3A_495 = arith.extui %sign3A_494 : vector<16xi1> to vector<16xi32>
    %sign3A_496 = arith.constant 0 : i32
    %sign3A_497 = vector.broadcast %sign3A_496 : i32 to vector<16xi32>
    %sign3A_498 = arith.cmpi slt, %add3A_488, %sign3A_497 : vector<16xi32>
    %sign3A_499 = arith.extui %sign3A_498 : vector<16xi1> to vector<16xi32>
    %sign3A_500 = arith.subi %sign3A_495, %sign3A_499 : vector<16xi32>
    %sign3A_501 = arith.constant 0 : i32
    %sign3A_502 = arith.cmpi sgt, %jit3A_489, %sign3A_501 : i32
    %sign3A_503 = arith.extui %sign3A_502 : i1 to i32
    %sign3A_504 = arith.constant 0 : i32
    %sign3A_505 = arith.cmpi slt, %jit3A_489, %sign3A_504 : i32
    %sign3A_506 = arith.extui %sign3A_505 : i1 to i32
    %sign3A_507 = arith.subi %sign3A_503, %sign3A_506 : i32
    %ne3A_508 = vector.broadcast %sign3A_507 : i32 to vector<16xi32>
    %ne3A_509 = arith.cmpi ne, %sign3A_500, %ne3A_508 : vector<16xi32>
    %rem3A_510 = vector.broadcast %jit3A_489 : i32 to vector<16xi32>
    %rem3A_511 = arith.remsi %add3A_488, %rem3A_510 : vector<16xi32>
    %ne3A_512 = arith.constant 0 : i32
    %ne3A_513 = vector.broadcast %ne3A_512 : i32 to vector<16xi32>
    %ne3A_514 = arith.cmpi ne, %rem3A_511, %ne3A_513 : vector<16xi32>
    %and3A_515 = arith.andi %ne3A_509, %ne3A_514 : vector<16xi1>
    %sub3A_516 = arith.constant 1 : i32
    %sub3A_517 = vector.broadcast %sub3A_516 : i32 to vector<16xi32>
    %sub3A_518 = arith.subi %div3A_491, %sub3A_517 : vector<16xi32>
    %select_n3A_519 = arith.select %and3A_515, %sub3A_518, %div3A_491 : vector<16xi1>, vector<16xi32>
    %eq3A_520 = arith.cmpi eq, %select_n3A_519, %broadcast_in_dim3A_51 : vector<16xi32>
    %convert_element_type3A_521 = arith.extui %eq3A_520 : vector<16xi1> to vector<16xi32>
    %convert_element_type3A_522 = arith.sitofp %convert_element_type3A_521 : vector<16xi32> to vector<16xf32>
    %eq3A_523 = arith.cmpi eq, %select_n3A_519, %broadcast_in_dim3A_57 : vector<16xi32>
    %convert_element_type3A_524 = arith.extui %eq3A_523 : vector<16xi1> to vector<16xi32>
    %convert_element_type3A_525 = arith.sitofp %convert_element_type3A_524 : vector<16xi32> to vector<16xf32>
    %add3A_526 = arith.addf %convert_element_type3A_522, %convert_element_type3A_525 : vector<16xf32>
    %swap3A_527 = arith.constant 160 : index
    %swap3A_528 = tpu.vector_load %arg5[%swap3A_527] {strides = array<i32>} : memref<512xf32, #tpu.memory_space<vmem>>, vector<16xf32>,
    tpu.vector_store %arg5[%swap3A_527], %add3A_526 {strides = array<i32>} : memref<512xf32, #tpu.memory_space<vmem>>, vector<16xf32>,
    %add3A_529 = arith.constant 176 : i32
    %add3A_530 = vector.broadcast %add3A_529 : i32 to vector<16xi32>
    %add3A_531 = arith.addi %iota3A, %add3A_530 : vector<16xi32>
    %jit3A_532 = arith.constant 4 : i32
    %div3A_533 = vector.broadcast %jit3A_532 : i32 to vector<16xi32>
    %div3A_534 = arith.divsi %add3A_531, %div3A_533 : vector<16xi32>
    %sign3A_535 = arith.constant 0 : i32
    %sign3A_536 = vector.broadcast %sign3A_535 : i32 to vector<16xi32>
    %sign3A_537 = arith.cmpi sgt, %add3A_531, %sign3A_536 : vector<16xi32>
    %sign3A_538 = arith.extui %sign3A_537 : vector<16xi1> to vector<16xi32>
    %sign3A_539 = arith.constant 0 : i32
    %sign3A_540 = vector.broadcast %sign3A_539 : i32 to vector<16xi32>
    %sign3A_541 = arith.cmpi slt, %add3A_531, %sign3A_540 : vector<16xi32>
    %sign3A_542 = arith.extui %sign3A_541 : vector<16xi1> to vector<16xi32>
    %sign3A_543 = arith.subi %sign3A_538, %sign3A_542 : vector<16xi32>
    %sign3A_544 = arith.constant 0 : i32
    %sign3A_545 = arith.cmpi sgt, %jit3A_532, %sign3A_544 : i32
    %sign3A_546 = arith.extui %sign3A_545 : i1 to i32
    %sign3A_547 = arith.constant 0 : i32
    %sign3A_548 = arith.cmpi slt, %jit3A_532, %sign3A_547 : i32
    %sign3A_549 = arith.extui %sign3A_548 : i1 to i32
    %sign3A_550 = arith.subi %sign3A_546, %sign3A_549 : i32
    %ne3A_551 = vector.broadcast %sign3A_550 : i32 to vector<16xi32>
    %ne3A_552 = arith.cmpi ne, %sign3A_543, %ne3A_551 : vector<16xi32>
    %rem3A_553 = vector.broadcast %jit3A_532 : i32 to vector<16xi32>
    %rem3A_554 = arith.remsi %add3A_531, %rem3A_553 : vector<16xi32>
    %ne3A_555 = arith.constant 0 : i32
    %ne3A_556 = vector.broadcast %ne3A_555 : i32 to vector<16xi32>
    %ne3A_557 = arith.cmpi ne, %rem3A_554, %ne3A_556 : vector<16xi32>
    %and3A_558 = arith.andi %ne3A_552, %ne3A_557 : vector<16xi1>
    %sub3A_559 = arith.constant 1 : i32
    %sub3A_560 = vector.broadcast %sub3A_559 : i32 to vector<16xi32>
    %sub3A_561 = arith.subi %div3A_534, %sub3A_560 : vector<16xi32>
    %select_n3A_562 = arith.select %and3A_558, %sub3A_561, %div3A_534 : vector<16xi1>, vector<16xi32>
    %eq3A_563 = arith.cmpi eq, %select_n3A_562, %broadcast_in_dim3A_51 : vector<16xi32>
    %convert_element_type3A_564 = arith.extui %eq3A_563 : vector<16xi1> to vector<16xi32>
    %convert_element_type3A_565 = arith.sitofp %convert_element_type3A_564 : vector<16xi32> to vector<16xf32>
    %eq3A_566 = arith.cmpi eq, %select_n3A_562, %broadcast_in_dim3A_57 : vector<16xi32>
    %convert_element_type3A_567 = arith.extui %eq3A_566 : vector<16xi1> to vector<16xi32>
    %convert_element_type3A_568 = arith.sitofp %convert_element_type3A_567 : vector<16xi32> to vector<16xf32>
    %add3A_569 = arith.addf %convert_element_type3A_565, %convert_element_type3A_568 : vector<16xf32>
    %swap3A_570 = arith.constant 176 : index
    %swap3A_571 = tpu.vector_load %arg5[%swap3A_570] {strides = array<i32>} : memref<512xf32, #tpu.memory_space<vmem>>, vector<16xf32>,
    tpu.vector_store %arg5[%swap3A_570], %add3A_569 {strides = array<i32>} : memref<512xf32, #tpu.memory_space<vmem>>, vector<16xf32>,
    %add3A_572 = arith.constant 192 : i32
    %add3A_573 = vector.broadcast %add3A_572 : i32 to vector<16xi32>
    %add3A_574 = arith.addi %iota3A, %add3A_573 : vector<16xi32>
    %jit3A_575 = arith.constant 4 : i32
    %div3A_576 = vector.broadcast %jit3A_575 : i32 to vector<16xi32>
    %div3A_577 = arith.divsi %add3A_574, %div3A_576 : vector<16xi32>
    %sign3A_578 = arith.constant 0 : i32
    %sign3A_579 = vector.broadcast %sign3A_578 : i32 to vector<16xi32>
    %sign3A_580 = arith.cmpi sgt, %add3A_574, %sign3A_579 : vector<16xi32>
    %sign3A_581 = arith.extui %sign3A_580 : vector<16xi1> to vector<16xi32>
    %sign3A_582 = arith.constant 0 : i32
    %sign3A_583 = vector.broadcast %sign3A_582 : i32 to vector<16xi32>
    %sign3A_584 = arith.cmpi slt, %add3A_574, %sign3A_583 : vector<16xi32>
    %sign3A_585 = arith.extui %sign3A_584 : vector<16xi1> to vector<16xi32>
    %sign3A_586 = arith.subi %sign3A_581, %sign3A_585 : vector<16xi32>
    %sign3A_587 = arith.constant 0 : i32
    %sign3A_588 = arith.cmpi sgt, %jit3A_575, %sign3A_587 : i32
    %sign3A_589 = arith.extui %sign3A_588 : i1 to i32
    %sign3A_590 = arith.constant 0 : i32
    %sign3A_591 = arith.cmpi slt, %jit3A_575, %sign3A_590 : i32
    %sign3A_592 = arith.extui %sign3A_591 : i1 to i32
    %sign3A_593 = arith.subi %sign3A_589, %sign3A_592 : i32
    %ne3A_594 = vector.broadcast %sign3A_593 : i32 to vector<16xi32>
    %ne3A_595 = arith.cmpi ne, %sign3A_586, %ne3A_594 : vector<16xi32>
    %rem3A_596 = vector.broadcast %jit3A_575 : i32 to vector<16xi32>
    %rem3A_597 = arith.remsi %add3A_574, %rem3A_596 : vector<16xi32>
    %ne3A_598 = arith.constant 0 : i32
    %ne3A_599 = vector.broadcast %ne3A_598 : i32 to vector<16xi32>
    %ne3A_600 = arith.cmpi ne, %rem3A_597, %ne3A_599 : vector<16xi32>
    %and3A_601 = arith.andi %ne3A_595, %ne3A_600 : vector<16xi1>
    %sub3A_602 = arith.constant 1 : i32
    %sub3A_603 = vector.broadcast %sub3A_602 : i32 to vector<16xi32>
    %sub3A_604 = arith.subi %div3A_577, %sub3A_603 : vector<16xi32>
    %select_n3A_605 = arith.select %and3A_601, %sub3A_604, %div3A_577 : vector<16xi1>, vector<16xi32>
    %eq3A_606 = arith.cmpi eq, %select_n3A_605, %broadcast_in_dim3A_51 : vector<16xi32>
    %convert_element_type3A_607 = arith.extui %eq3A_606 : vector<16xi1> to vector<16xi32>
    %convert_element_type3A_608 = arith.sitofp %convert_element_type3A_607 : vector<16xi32> to vector<16xf32>
    %eq3A_609 = arith.cmpi eq, %select_n3A_605, %broadcast_in_dim3A_57 : vector<16xi32>
    %convert_element_type3A_610 = arith.extui %eq3A_609 : vector<16xi1> to vector<16xi32>
    %convert_element_type3A_611 = arith.sitofp %convert_element_type3A_610 : vector<16xi32> to vector<16xf32>
    %add3A_612 = arith.addf %convert_element_type3A_608, %convert_element_type3A_611 : vector<16xf32>
    %swap3A_613 = arith.constant 192 : index
    %swap3A_614 = tpu.vector_load %arg5[%swap3A_613] {strides = array<i32>} : memref<512xf32, #tpu.memory_space<vmem>>, vector<16xf32>,
    tpu.vector_store %arg5[%swap3A_613], %add3A_612 {strides = array<i32>} : memref<512xf32, #tpu.memory_space<vmem>>, vector<16xf32>,
    %add3A_615 = arith.constant 208 : i32
    %add3A_616 = vector.broadcast %add3A_615 : i32 to vector<16xi32>
    %add3A_617 = arith.addi %iota3A, %add3A_616 : vector<16xi32>
    %jit3A_618 = arith.constant 4 : i32
    %div3A_619 = vector.broadcast %jit3A_618 : i32 to vector<16xi32>
    %div3A_620 = arith.divsi %add3A_617, %div3A_619 : vector<16xi32>
    %sign3A_621 = arith.constant 0 : i32
    %sign3A_622 = vector.broadcast %sign3A_621 : i32 to vector<16xi32>
    %sign3A_623 = arith.cmpi sgt, %add3A_617, %sign3A_622 : vector<16xi32>
    %sign3A_624 = arith.extui %sign3A_623 : vector<16xi1> to vector<16xi32>
    %sign3A_625 = arith.constant 0 : i32
    %sign3A_626 = vector.broadcast %sign3A_625 : i32 to vector<16xi32>
    %sign3A_627 = arith.cmpi slt, %add3A_617, %sign3A_626 : vector<16xi32>
    %sign3A_628 = arith.extui %sign3A_627 : vector<16xi1> to vector<16xi32>
    %sign3A_629 = arith.subi %sign3A_624, %sign3A_628 : vector<16xi32>
    %sign3A_630 = arith.constant 0 : i32
    %sign3A_631 = arith.cmpi sgt, %jit3A_618, %sign3A_630 : i32
    %sign3A_632 = arith.extui %sign3A_631 : i1 to i32
    %sign3A_633 = arith.constant 0 : i32
    %sign3A_634 = arith.cmpi slt, %jit3A_618, %sign3A_633 : i32
    %sign3A_635 = arith.extui %sign3A_634 : i1 to i32
    %sign3A_636 = arith.subi %sign3A_632, %sign3A_635 : i32
    %ne3A_637 = vector.broadcast %sign3A_636 : i32 to vector<16xi32>
    %ne3A_638 = arith.cmpi ne, %sign3A_629, %ne3A_637 : vector<16xi32>
    %rem3A_639 = vector.broadcast %jit3A_618 : i32 to vector<16xi32>
    %rem3A_640 = arith.remsi %add3A_617, %rem3A_639 : vector<16xi32>
    %ne3A_641 = arith.constant 0 : i32
    %ne3A_642 = vector.broadcast %ne3A_641 : i32 to vector<16xi32>
    %ne3A_643 = arith.cmpi ne, %rem3A_640, %ne3A_642 : vector<16xi32>
    %and3A_644 = arith.andi %ne3A_638, %ne3A_643 : vector<16xi1>
    %sub3A_645 = arith.constant 1 : i32
    %sub3A_646 = vector.broadcast %sub3A_645 : i32 to vector<16xi32>
    %sub3A_647 = arith.subi %div3A_620, %sub3A_646 : vector<16xi32>
    %select_n3A_648 = arith.select %and3A_644, %sub3A_647, %div3A_620 : vector<16xi1>, vector<16xi32>
    %eq3A_649 = arith.cmpi eq, %select_n3A_648, %broadcast_in_dim3A_51 : vector<16xi32>
    %convert_element_type3A_650 = arith.extui %eq3A_649 : vector<16xi1> to vector<16xi32>
    %convert_element_type3A_651 = arith.sitofp %convert_element_type3A_650 : vector<16xi32> to vector<16xf32>
    %eq3A_652 = arith.cmpi eq, %select_n3A_648, %broadcast_in_dim3A_57 : vector<16xi32>
    %convert_element_type3A_653 = arith.extui %eq3A_652 : vector<16xi1> to vector<16xi32>
    %convert_element_type3A_654 = arith.sitofp %convert_element_type3A_653 : vector<16xi32> to vector<16xf32>
    %add3A_655 = arith.addf %convert_element_type3A_651, %convert_element_type3A_654 : vector<16xf32>
    %swap3A_656 = arith.constant 208 : index
    %swap3A_657 = tpu.vector_load %arg5[%swap3A_656] {strides = array<i32>} : memref<512xf32, #tpu.memory_space<vmem>>, vector<16xf32>,
    tpu.vector_store %arg5[%swap3A_656], %add3A_655 {strides = array<i32>} : memref<512xf32, #tpu.memory_space<vmem>>, vector<16xf32>,
    %add3A_658 = arith.constant 224 : i32
    %add3A_659 = vector.broadcast %add3A_658 : i32 to vector<16xi32>
    %add3A_660 = arith.addi %iota3A, %add3A_659 : vector<16xi32>
    %jit3A_661 = arith.constant 4 : i32
    %div3A_662 = vector.broadcast %jit3A_661 : i32 to vector<16xi32>
    %div3A_663 = arith.divsi %add3A_660, %div3A_662 : vector<16xi32>
    %sign3A_664 = arith.constant 0 : i32
    %sign3A_665 = vector.broadcast %sign3A_664 : i32 to vector<16xi32>
    %sign3A_666 = arith.cmpi sgt, %add3A_660, %sign3A_665 : vector<16xi32>
    %sign3A_667 = arith.extui %sign3A_666 : vector<16xi1> to vector<16xi32>
    %sign3A_668 = arith.constant 0 : i32
    %sign3A_669 = vector.broadcast %sign3A_668 : i32 to vector<16xi32>
    %sign3A_670 = arith.cmpi slt, %add3A_660, %sign3A_669 : vector<16xi32>
    %sign3A_671 = arith.extui %sign3A_670 : vector<16xi1> to vector<16xi32>
    %sign3A_672 = arith.subi %sign3A_667, %sign3A_671 : vector<16xi32>
    %sign3A_673 = arith.constant 0 : i32
    %sign3A_674 = arith.cmpi sgt, %jit3A_661, %sign3A_673 : i32
    %sign3A_675 = arith.extui %sign3A_674 : i1 to i32
    %sign3A_676 = arith.constant 0 : i32
    %sign3A_677 = arith.cmpi slt, %jit3A_661, %sign3A_676 : i32
    %sign3A_678 = arith.extui %sign3A_677 : i1 to i32
    %sign3A_679 = arith.subi %sign3A_675, %sign3A_678 : i32
    %ne3A_680 = vector.broadcast %sign3A_679 : i32 to vector<16xi32>
    %ne3A_681 = arith.cmpi ne, %sign3A_672, %ne3A_680 : vector<16xi32>
    %rem3A_682 = vector.broadcast %jit3A_661 : i32 to vector<16xi32>
    %rem3A_683 = arith.remsi %add3A_660, %rem3A_682 : vector<16xi32>
    %ne3A_684 = arith.constant 0 : i32
    %ne3A_685 = vector.broadcast %ne3A_684 : i32 to vector<16xi32>
    %ne3A_686 = arith.cmpi ne, %rem3A_683, %ne3A_685 : vector<16xi32>
    %and3A_687 = arith.andi %ne3A_681, %ne3A_686 : vector<16xi1>
    %sub3A_688 = arith.constant 1 : i32
    %sub3A_689 = vector.broadcast %sub3A_688 : i32 to vector<16xi32>
    %sub3A_690 = arith.subi %div3A_663, %sub3A_689 : vector<16xi32>
    %select_n3A_691 = arith.select %and3A_687, %sub3A_690, %div3A_663 : vector<16xi1>, vector<16xi32>
    %eq3A_692 = arith.cmpi eq, %select_n3A_691, %broadcast_in_dim3A_51 : vector<16xi32>
    %convert_element_type3A_693 = arith.extui %eq3A_692 : vector<16xi1> to vector<16xi32>
    %convert_element_type3A_694 = arith.sitofp %convert_element_type3A_693 : vector<16xi32> to vector<16xf32>
    %eq3A_695 = arith.cmpi eq, %select_n3A_691, %broadcast_in_dim3A_57 : vector<16xi32>
    %convert_element_type3A_696 = arith.extui %eq3A_695 : vector<16xi1> to vector<16xi32>
    %convert_element_type3A_697 = arith.sitofp %convert_element_type3A_696 : vector<16xi32> to vector<16xf32>
    %add3A_698 = arith.addf %convert_element_type3A_694, %convert_element_type3A_697 : vector<16xf32>
    %swap3A_699 = arith.constant 224 : index
    %swap3A_700 = tpu.vector_load %arg5[%swap3A_699] {strides = array<i32>} : memref<512xf32, #tpu.memory_space<vmem>>, vector<16xf32>,
    tpu.vector_store %arg5[%swap3A_699], %add3A_698 {strides = array<i32>} : memref<512xf32, #tpu.memory_space<vmem>>, vector<16xf32>,
    %add3A_701 = arith.constant 240 : i32
    %add3A_702 = vector.broadcast %add3A_701 : i32 to vector<16xi32>
    %add3A_703 = arith.addi %iota3A, %add3A_702 : vector<16xi32>
    %jit3A_704 = arith.constant 4 : i32
    %div3A_705 = vector.broadcast %jit3A_704 : i32 to vector<16xi32>
    %div3A_706 = arith.divsi %add3A_703, %div3A_705 : vector<16xi32>
    %sign3A_707 = arith.constant 0 : i32
    %sign3A_708 = vector.broadcast %sign3A_707 : i32 to vector<16xi32>
    %sign3A_709 = arith.cmpi sgt, %add3A_703, %sign3A_708 : vector<16xi32>
    %sign3A_710 = arith.extui %sign3A_709 : vector<16xi1> to vector<16xi32>
    %sign3A_711 = arith.constant 0 : i32
    %sign3A_712 = vector.broadcast %sign3A_711 : i32 to vector<16xi32>
    %sign3A_713 = arith.cmpi slt, %add3A_703, %sign3A_712 : vector<16xi32>
    %sign3A_714 = arith.extui %sign3A_713 : vector<16xi1> to vector<16xi32>
    %sign3A_715 = arith.subi %sign3A_710, %sign3A_714 : vector<16xi32>
    %sign3A_716 = arith.constant 0 : i32
    %sign3A_717 = arith.cmpi sgt, %jit3A_704, %sign3A_716 : i32
    %sign3A_718 = arith.extui %sign3A_717 : i1 to i32
    %sign3A_719 = arith.constant 0 : i32
    %sign3A_720 = arith.cmpi slt, %jit3A_704, %sign3A_719 : i32
    %sign3A_721 = arith.extui %sign3A_720 : i1 to i32
    %sign3A_722 = arith.subi %sign3A_718, %sign3A_721 : i32
    %ne3A_723 = vector.broadcast %sign3A_722 : i32 to vector<16xi32>
    %ne3A_724 = arith.cmpi ne, %sign3A_715, %ne3A_723 : vector<16xi32>
    %rem3A_725 = vector.broadcast %jit3A_704 : i32 to vector<16xi32>
    %rem3A_726 = arith.remsi %add3A_703, %rem3A_725 : vector<16xi32>
    %ne3A_727 = arith.constant 0 : i32
    %ne3A_728 = vector.broadcast %ne3A_727 : i32 to vector<16xi32>
    %ne3A_729 = arith.cmpi ne, %rem3A_726, %ne3A_728 : vector<16xi32>
    %and3A_730 = arith.andi %ne3A_724, %ne3A_729 : vector<16xi1>
    %sub3A_731 = arith.constant 1 : i32
    %sub3A_732 = vector.broadcast %sub3A_731 : i32 to vector<16xi32>
    %sub3A_733 = arith.subi %div3A_706, %sub3A_732 : vector<16xi32>
    %select_n3A_734 = arith.select %and3A_730, %sub3A_733, %div3A_706 : vector<16xi1>, vector<16xi32>
    %eq3A_735 = arith.cmpi eq, %select_n3A_734, %broadcast_in_dim3A_51 : vector<16xi32>
    %convert_element_type3A_736 = arith.extui %eq3A_735 : vector<16xi1> to vector<16xi32>
    %convert_element_type3A_737 = arith.sitofp %convert_element_type3A_736 : vector<16xi32> to vector<16xf32>
    %eq3A_738 = arith.cmpi eq, %select_n3A_734, %broadcast_in_dim3A_57 : vector<16xi32>
    %convert_element_type3A_739 = arith.extui %eq3A_738 : vector<16xi1> to vector<16xi32>
    %convert_element_type3A_740 = arith.sitofp %convert_element_type3A_739 : vector<16xi32> to vector<16xf32>
    %add3A_741 = arith.addf %convert_element_type3A_737, %convert_element_type3A_740 : vector<16xf32>
    %swap3A_742 = arith.constant 240 : index
    %swap3A_743 = tpu.vector_load %arg5[%swap3A_742] {strides = array<i32>} : memref<512xf32, #tpu.memory_space<vmem>>, vector<16xf32>,
    tpu.vector_store %arg5[%swap3A_742], %add3A_741 {strides = array<i32>} : memref<512xf32, #tpu.memory_space<vmem>>, vector<16xf32>,
    %add3A_744 = arith.constant 256 : i32
    %add3A_745 = vector.broadcast %add3A_744 : i32 to vector<16xi32>
    %add3A_746 = arith.addi %iota3A, %add3A_745 : vector<16xi32>
    %jit3A_747 = arith.constant 4 : i32
    %div3A_748 = vector.broadcast %jit3A_747 : i32 to vector<16xi32>
    %div3A_749 = arith.divsi %add3A_746, %div3A_748 : vector<16xi32>
    %sign3A_750 = arith.constant 0 : i32
    %sign3A_751 = vector.broadcast %sign3A_750 : i32 to vector<16xi32>
    %sign3A_752 = arith.cmpi sgt, %add3A_746, %sign3A_751 : vector<16xi32>
    %sign3A_753 = arith.extui %sign3A_752 : vector<16xi1> to vector<16xi32>
    %sign3A_754 = arith.constant 0 : i32
    %sign3A_755 = vector.broadcast %sign3A_754 : i32 to vector<16xi32>
    %sign3A_756 = arith.cmpi slt, %add3A_746, %sign3A_755 : vector<16xi32>
    %sign3A_757 = arith.extui %sign3A_756 : vector<16xi1> to vector<16xi32>
    %sign3A_758 = arith.subi %sign3A_753, %sign3A_757 : vector<16xi32>
    %sign3A_759 = arith.constant 0 : i32
    %sign3A_760 = arith.cmpi sgt, %jit3A_747, %sign3A_759 : i32
    %sign3A_761 = arith.extui %sign3A_760 : i1 to i32
    %sign3A_762 = arith.constant 0 : i32
    %sign3A_763 = arith.cmpi slt, %jit3A_747, %sign3A_762 : i32
    %sign3A_764 = arith.extui %sign3A_763 : i1 to i32
    %sign3A_765 = arith.subi %sign3A_761, %sign3A_764 : i32
    %ne3A_766 = vector.broadcast %sign3A_765 : i32 to vector<16xi32>
    %ne3A_767 = arith.cmpi ne, %sign3A_758, %ne3A_766 : vector<16xi32>
    %rem3A_768 = vector.broadcast %jit3A_747 : i32 to vector<16xi32>
    %rem3A_769 = arith.remsi %add3A_746, %rem3A_768 : vector<16xi32>
    %ne3A_770 = arith.constant 0 : i32
    %ne3A_771 = vector.broadcast %ne3A_770 : i32 to vector<16xi32>
    %ne3A_772 = arith.cmpi ne, %rem3A_769, %ne3A_771 : vector<16xi32>
    %and3A_773 = arith.andi %ne3A_767, %ne3A_772 : vector<16xi1>
    %sub3A_774 = arith.constant 1 : i32
    %sub3A_775 = vector.broadcast %sub3A_774 : i32 to vector<16xi32>
    %sub3A_776 = arith.subi %div3A_749, %sub3A_775 : vector<16xi32>
    %select_n3A_777 = arith.select %and3A_773, %sub3A_776, %div3A_749 : vector<16xi1>, vector<16xi32>
    %eq3A_778 = arith.cmpi eq, %select_n3A_777, %broadcast_in_dim3A_51 : vector<16xi32>
    %convert_element_type3A_779 = arith.extui %eq3A_778 : vector<16xi1> to vector<16xi32>
    %convert_element_type3A_780 = arith.sitofp %convert_element_type3A_779 : vector<16xi32> to vector<16xf32>
    %eq3A_781 = arith.cmpi eq, %select_n3A_777, %broadcast_in_dim3A_57 : vector<16xi32>
    %convert_element_type3A_782 = arith.extui %eq3A_781 : vector<16xi1> to vector<16xi32>
    %convert_element_type3A_783 = arith.sitofp %convert_element_type3A_782 : vector<16xi32> to vector<16xf32>
    %add3A_784 = arith.addf %convert_element_type3A_780, %convert_element_type3A_783 : vector<16xf32>
    %swap3A_785 = arith.constant 256 : index
    %swap3A_786 = tpu.vector_load %arg5[%swap3A_785] {strides = array<i32>} : memref<512xf32, #tpu.memory_space<vmem>>, vector<16xf32>,
    tpu.vector_store %arg5[%swap3A_785], %add3A_784 {strides = array<i32>} : memref<512xf32, #tpu.memory_space<vmem>>, vector<16xf32>,
    %add3A_787 = arith.constant 272 : i32
    %add3A_788 = vector.broadcast %add3A_787 : i32 to vector<16xi32>
    %add3A_789 = arith.addi %iota3A, %add3A_788 : vector<16xi32>
    %jit3A_790 = arith.constant 4 : i32
    %div3A_791 = vector.broadcast %jit3A_790 : i32 to vector<16xi32>
    %div3A_792 = arith.divsi %add3A_789, %div3A_791 : vector<16xi32>
    %sign3A_793 = arith.constant 0 : i32
    %sign3A_794 = vector.broadcast %sign3A_793 : i32 to vector<16xi32>
    %sign3A_795 = arith.cmpi sgt, %add3A_789, %sign3A_794 : vector<16xi32>
    %sign3A_796 = arith.extui %sign3A_795 : vector<16xi1> to vector<16xi32>
    %sign3A_797 = arith.constant 0 : i32
    %sign3A_798 = vector.broadcast %sign3A_797 : i32 to vector<16xi32>
    %sign3A_799 = arith.cmpi slt, %add3A_789, %sign3A_798 : vector<16xi32>
    %sign3A_800 = arith.extui %sign3A_799 : vector<16xi1> to vector<16xi32>
    %sign3A_801 = arith.subi %sign3A_796, %sign3A_800 : vector<16xi32>
    %sign3A_802 = arith.constant 0 : i32
    %sign3A_803 = arith.cmpi sgt, %jit3A_790, %sign3A_802 : i32
    %sign3A_804 = arith.extui %sign3A_803 : i1 to i32
    %sign3A_805 = arith.constant 0 : i32
    %sign3A_806 = arith.cmpi slt, %jit3A_790, %sign3A_805 : i32
    %sign3A_807 = arith.extui %sign3A_806 : i1 to i32
    %sign3A_808 = arith.subi %sign3A_804, %sign3A_807 : i32
    %ne3A_809 = vector.broadcast %sign3A_808 : i32 to vector<16xi32>
    %ne3A_810 = arith.cmpi ne, %sign3A_801, %ne3A_809 : vector<16xi32>
    %rem3A_811 = vector.broadcast %jit3A_790 : i32 to vector<16xi32>
    %rem3A_812 = arith.remsi %add3A_789, %rem3A_811 : vector<16xi32>
    %ne3A_813 = arith.constant 0 : i32
    %ne3A_814 = vector.broadcast %ne3A_813 : i32 to vector<16xi32>
    %ne3A_815 = arith.cmpi ne, %rem3A_812, %ne3A_814 : vector<16xi32>
    %and3A_816 = arith.andi %ne3A_810, %ne3A_815 : vector<16xi1>
    %sub3A_817 = arith.constant 1 : i32
    %sub3A_818 = vector.broadcast %sub3A_817 : i32 to vector<16xi32>
    %sub3A_819 = arith.subi %div3A_792, %sub3A_818 : vector<16xi32>
    %select_n3A_820 = arith.select %and3A_816, %sub3A_819, %div3A_792 : vector<16xi1>, vector<16xi32>
    %eq3A_821 = arith.cmpi eq, %select_n3A_820, %broadcast_in_dim3A_51 : vector<16xi32>
    %convert_element_type3A_822 = arith.extui %eq3A_821 : vector<16xi1> to vector<16xi32>
    %convert_element_type3A_823 = arith.sitofp %convert_element_type3A_822 : vector<16xi32> to vector<16xf32>
    %eq3A_824 = arith.cmpi eq, %select_n3A_820, %broadcast_in_dim3A_57 : vector<16xi32>
    %convert_element_type3A_825 = arith.extui %eq3A_824 : vector<16xi1> to vector<16xi32>
    %convert_element_type3A_826 = arith.sitofp %convert_element_type3A_825 : vector<16xi32> to vector<16xf32>
    %add3A_827 = arith.addf %convert_element_type3A_823, %convert_element_type3A_826 : vector<16xf32>
    %swap3A_828 = arith.constant 272 : index
    %swap3A_829 = tpu.vector_load %arg5[%swap3A_828] {strides = array<i32>} : memref<512xf32, #tpu.memory_space<vmem>>, vector<16xf32>,
    tpu.vector_store %arg5[%swap3A_828], %add3A_827 {strides = array<i32>} : memref<512xf32, #tpu.memory_space<vmem>>, vector<16xf32>,
    %add3A_830 = arith.constant 288 : i32
    %add3A_831 = vector.broadcast %add3A_830 : i32 to vector<16xi32>
    %add3A_832 = arith.addi %iota3A, %add3A_831 : vector<16xi32>
    %jit3A_833 = arith.constant 4 : i32
    %div3A_834 = vector.broadcast %jit3A_833 : i32 to vector<16xi32>
    %div3A_835 = arith.divsi %add3A_832, %div3A_834 : vector<16xi32>
    %sign3A_836 = arith.constant 0 : i32
    %sign3A_837 = vector.broadcast %sign3A_836 : i32 to vector<16xi32>
    %sign3A_838 = arith.cmpi sgt, %add3A_832, %sign3A_837 : vector<16xi32>
    %sign3A_839 = arith.extui %sign3A_838 : vector<16xi1> to vector<16xi32>
    %sign3A_840 = arith.constant 0 : i32
    %sign3A_841 = vector.broadcast %sign3A_840 : i32 to vector<16xi32>
    %sign3A_842 = arith.cmpi slt, %add3A_832, %sign3A_841 : vector<16xi32>
    %sign3A_843 = arith.extui %sign3A_842 : vector<16xi1> to vector<16xi32>
    %sign3A_844 = arith.subi %sign3A_839, %sign3A_843 : vector<16xi32>
    %sign3A_845 = arith.constant 0 : i32
    %sign3A_846 = arith.cmpi sgt, %jit3A_833, %sign3A_845 : i32
    %sign3A_847 = arith.extui %sign3A_846 : i1 to i32
    %sign3A_848 = arith.constant 0 : i32
    %sign3A_849 = arith.cmpi slt, %jit3A_833, %sign3A_848 : i32
    %sign3A_850 = arith.extui %sign3A_849 : i1 to i32
    %sign3A_851 = arith.subi %sign3A_847, %sign3A_850 : i32
    %ne3A_852 = vector.broadcast %sign3A_851 : i32 to vector<16xi32>
    %ne3A_853 = arith.cmpi ne, %sign3A_844, %ne3A_852 : vector<16xi32>
    %rem3A_854 = vector.broadcast %jit3A_833 : i32 to vector<16xi32>
    %rem3A_855 = arith.remsi %add3A_832, %rem3A_854 : vector<16xi32>
    %ne3A_856 = arith.constant 0 : i32
    %ne3A_857 = vector.broadcast %ne3A_856 : i32 to vector<16xi32>
    %ne3A_858 = arith.cmpi ne, %rem3A_855, %ne3A_857 : vector<16xi32>
    %and3A_859 = arith.andi %ne3A_853, %ne3A_858 : vector<16xi1>
    %sub3A_860 = arith.constant 1 : i32
    %sub3A_861 = vector.broadcast %sub3A_860 : i32 to vector<16xi32>
    %sub3A_862 = arith.subi %div3A_835, %sub3A_861 : vector<16xi32>
    %select_n3A_863 = arith.select %and3A_859, %sub3A_862, %div3A_835 : vector<16xi1>, vector<16xi32>
    %eq3A_864 = arith.cmpi eq, %select_n3A_863, %broadcast_in_dim3A_51 : vector<16xi32>
    %convert_element_type3A_865 = arith.extui %eq3A_864 : vector<16xi1> to vector<16xi32>
    %convert_element_type3A_866 = arith.sitofp %convert_element_type3A_865 : vector<16xi32> to vector<16xf32>
    %eq3A_867 = arith.cmpi eq, %select_n3A_863, %broadcast_in_dim3A_57 : vector<16xi32>
    %convert_element_type3A_868 = arith.extui %eq3A_867 : vector<16xi1> to vector<16xi32>
    %convert_element_type3A_869 = arith.sitofp %convert_element_type3A_868 : vector<16xi32> to vector<16xf32>
    %add3A_870 = arith.addf %convert_element_type3A_866, %convert_element_type3A_869 : vector<16xf32>
    %swap3A_871 = arith.constant 288 : index
    %swap3A_872 = tpu.vector_load %arg5[%swap3A_871] {strides = array<i32>} : memref<512xf32, #tpu.memory_space<vmem>>, vector<16xf32>,
    tpu.vector_store %arg5[%swap3A_871], %add3A_870 {strides = array<i32>} : memref<512xf32, #tpu.memory_space<vmem>>, vector<16xf32>,
    %add3A_873 = arith.constant 304 : i32
    %add3A_874 = vector.broadcast %add3A_873 : i32 to vector<16xi32>
    %add3A_875 = arith.addi %iota3A, %add3A_874 : vector<16xi32>
    %jit3A_876 = arith.constant 4 : i32
    %div3A_877 = vector.broadcast %jit3A_876 : i32 to vector<16xi32>
    %div3A_878 = arith.divsi %add3A_875, %div3A_877 : vector<16xi32>
    %sign3A_879 = arith.constant 0 : i32
    %sign3A_880 = vector.broadcast %sign3A_879 : i32 to vector<16xi32>
    %sign3A_881 = arith.cmpi sgt, %add3A_875, %sign3A_880 : vector<16xi32>
    %sign3A_882 = arith.extui %sign3A_881 : vector<16xi1> to vector<16xi32>
    %sign3A_883 = arith.constant 0 : i32
    %sign3A_884 = vector.broadcast %sign3A_883 : i32 to vector<16xi32>
    %sign3A_885 = arith.cmpi slt, %add3A_875, %sign3A_884 : vector<16xi32>
    %sign3A_886 = arith.extui %sign3A_885 : vector<16xi1> to vector<16xi32>
    %sign3A_887 = arith.subi %sign3A_882, %sign3A_886 : vector<16xi32>
    %sign3A_888 = arith.constant 0 : i32
    %sign3A_889 = arith.cmpi sgt, %jit3A_876, %sign3A_888 : i32
    %sign3A_890 = arith.extui %sign3A_889 : i1 to i32
    %sign3A_891 = arith.constant 0 : i32
    %sign3A_892 = arith.cmpi slt, %jit3A_876, %sign3A_891 : i32
    %sign3A_893 = arith.extui %sign3A_892 : i1 to i32
    %sign3A_894 = arith.subi %sign3A_890, %sign3A_893 : i32
    %ne3A_895 = vector.broadcast %sign3A_894 : i32 to vector<16xi32>
    %ne3A_896 = arith.cmpi ne, %sign3A_887, %ne3A_895 : vector<16xi32>
    %rem3A_897 = vector.broadcast %jit3A_876 : i32 to vector<16xi32>
    %rem3A_898 = arith.remsi %add3A_875, %rem3A_897 : vector<16xi32>
    %ne3A_899 = arith.constant 0 : i32
    %ne3A_900 = vector.broadcast %ne3A_899 : i32 to vector<16xi32>
    %ne3A_901 = arith.cmpi ne, %rem3A_898, %ne3A_900 : vector<16xi32>
    %and3A_902 = arith.andi %ne3A_896, %ne3A_901 : vector<16xi1>
    %sub3A_903 = arith.constant 1 : i32
    %sub3A_904 = vector.broadcast %sub3A_903 : i32 to vector<16xi32>
    %sub3A_905 = arith.subi %div3A_878, %sub3A_904 : vector<16xi32>
    %select_n3A_906 = arith.select %and3A_902, %sub3A_905, %div3A_878 : vector<16xi1>, vector<16xi32>
    %eq3A_907 = arith.cmpi eq, %select_n3A_906, %broadcast_in_dim3A_51 : vector<16xi32>
    %convert_element_type3A_908 = arith.extui %eq3A_907 : vector<16xi1> to vector<16xi32>
    %convert_element_type3A_909 = arith.sitofp %convert_element_type3A_908 : vector<16xi32> to vector<16xf32>
    %eq3A_910 = arith.cmpi eq, %select_n3A_906, %broadcast_in_dim3A_57 : vector<16xi32>
    %convert_element_type3A_911 = arith.extui %eq3A_910 : vector<16xi1> to vector<16xi32>
    %convert_element_type3A_912 = arith.sitofp %convert_element_type3A_911 : vector<16xi32> to vector<16xf32>
    %add3A_913 = arith.addf %convert_element_type3A_909, %convert_element_type3A_912 : vector<16xf32>
    %swap3A_914 = arith.constant 304 : index
    %swap3A_915 = tpu.vector_load %arg5[%swap3A_914] {strides = array<i32>} : memref<512xf32, #tpu.memory_space<vmem>>, vector<16xf32>,
    tpu.vector_store %arg5[%swap3A_914], %add3A_913 {strides = array<i32>} : memref<512xf32, #tpu.memory_space<vmem>>, vector<16xf32>,
    %add3A_916 = arith.constant 320 : i32
    %add3A_917 = vector.broadcast %add3A_916 : i32 to vector<16xi32>
    %add3A_918 = arith.addi %iota3A, %add3A_917 : vector<16xi32>
    %jit3A_919 = arith.constant 4 : i32
    %div3A_920 = vector.broadcast %jit3A_919 : i32 to vector<16xi32>
    %div3A_921 = arith.divsi %add3A_918, %div3A_920 : vector<16xi32>
    %sign3A_922 = arith.constant 0 : i32
    %sign3A_923 = vector.broadcast %sign3A_922 : i32 to vector<16xi32>
    %sign3A_924 = arith.cmpi sgt, %add3A_918, %sign3A_923 : vector<16xi32>
    %sign3A_925 = arith.extui %sign3A_924 : vector<16xi1> to vector<16xi32>
    %sign3A_926 = arith.constant 0 : i32
    %sign3A_927 = vector.broadcast %sign3A_926 : i32 to vector<16xi32>
    %sign3A_928 = arith.cmpi slt, %add3A_918, %sign3A_927 : vector<16xi32>
    %sign3A_929 = arith.extui %sign3A_928 : vector<16xi1> to vector<16xi32>
    %sign3A_930 = arith.subi %sign3A_925, %sign3A_929 : vector<16xi32>
    %sign3A_931 = arith.constant 0 : i32
    %sign3A_932 = arith.cmpi sgt, %jit3A_919, %sign3A_931 : i32
    %sign3A_933 = arith.extui %sign3A_932 : i1 to i32
    %sign3A_934 = arith.constant 0 : i32
    %sign3A_935 = arith.cmpi slt, %jit3A_919, %sign3A_934 : i32
    %sign3A_936 = arith.extui %sign3A_935 : i1 to i32
    %sign3A_937 = arith.subi %sign3A_933, %sign3A_936 : i32
    %ne3A_938 = vector.broadcast %sign3A_937 : i32 to vector<16xi32>
    %ne3A_939 = arith.cmpi ne, %sign3A_930, %ne3A_938 : vector<16xi32>
    %rem3A_940 = vector.broadcast %jit3A_919 : i32 to vector<16xi32>
    %rem3A_941 = arith.remsi %add3A_918, %rem3A_940 : vector<16xi32>
    %ne3A_942 = arith.constant 0 : i32
    %ne3A_943 = vector.broadcast %ne3A_942 : i32 to vector<16xi32>
    %ne3A_944 = arith.cmpi ne, %rem3A_941, %ne3A_943 : vector<16xi32>
    %and3A_945 = arith.andi %ne3A_939, %ne3A_944 : vector<16xi1>
    %sub3A_946 = arith.constant 1 : i32
    %sub3A_947 = vector.broadcast %sub3A_946 : i32 to vector<16xi32>
    %sub3A_948 = arith.subi %div3A_921, %sub3A_947 : vector<16xi32>
    %select_n3A_949 = arith.select %and3A_945, %sub3A_948, %div3A_921 : vector<16xi1>, vector<16xi32>
    %eq3A_950 = arith.cmpi eq, %select_n3A_949, %broadcast_in_dim3A_51 : vector<16xi32>
    %convert_element_type3A_951 = arith.extui %eq3A_950 : vector<16xi1> to vector<16xi32>
    %convert_element_type3A_952 = arith.sitofp %convert_element_type3A_951 : vector<16xi32> to vector<16xf32>
    %eq3A_953 = arith.cmpi eq, %select_n3A_949, %broadcast_in_dim3A_57 : vector<16xi32>
    %convert_element_type3A_954 = arith.extui %eq3A_953 : vector<16xi1> to vector<16xi32>
    %convert_element_type3A_955 = arith.sitofp %convert_element_type3A_954 : vector<16xi32> to vector<16xf32>
    %add3A_956 = arith.addf %convert_element_type3A_952, %convert_element_type3A_955 : vector<16xf32>
    %swap3A_957 = arith.constant 320 : index
    %swap3A_958 = tpu.vector_load %arg5[%swap3A_957] {strides = array<i32>} : memref<512xf32, #tpu.memory_space<vmem>>, vector<16xf32>,
    tpu.vector_store %arg5[%swap3A_957], %add3A_956 {strides = array<i32>} : memref<512xf32, #tpu.memory_space<vmem>>, vector<16xf32>,
    %add3A_959 = arith.constant 336 : i32
    %add3A_960 = vector.broadcast %add3A_959 : i32 to vector<16xi32>
    %add3A_961 = arith.addi %iota3A, %add3A_960 : vector<16xi32>
    %jit3A_962 = arith.constant 4 : i32
    %div3A_963 = vector.broadcast %jit3A_962 : i32 to vector<16xi32>
    %div3A_964 = arith.divsi %add3A_961, %div3A_963 : vector<16xi32>
    %sign3A_965 = arith.constant 0 : i32
    %sign3A_966 = vector.broadcast %sign3A_965 : i32 to vector<16xi32>
    %sign3A_967 = arith.cmpi sgt, %add3A_961, %sign3A_966 : vector<16xi32>
    %sign3A_968 = arith.extui %sign3A_967 : vector<16xi1> to vector<16xi32>
    %sign3A_969 = arith.constant 0 : i32
    %sign3A_970 = vector.broadcast %sign3A_969 : i32 to vector<16xi32>
    %sign3A_971 = arith.cmpi slt, %add3A_961, %sign3A_970 : vector<16xi32>
    %sign3A_972 = arith.extui %sign3A_971 : vector<16xi1> to vector<16xi32>
    %sign3A_973 = arith.subi %sign3A_968, %sign3A_972 : vector<16xi32>
    %sign3A_974 = arith.constant 0 : i32
    %sign3A_975 = arith.cmpi sgt, %jit3A_962, %sign3A_974 : i32
    %sign3A_976 = arith.extui %sign3A_975 : i1 to i32
    %sign3A_977 = arith.constant 0 : i32
    %sign3A_978 = arith.cmpi slt, %jit3A_962, %sign3A_977 : i32
    %sign3A_979 = arith.extui %sign3A_978 : i1 to i32
    %sign3A_980 = arith.subi %sign3A_976, %sign3A_979 : i32
    %ne3A_981 = vector.broadcast %sign3A_980 : i32 to vector<16xi32>
    %ne3A_982 = arith.cmpi ne, %sign3A_973, %ne3A_981 : vector<16xi32>
    %rem3A_983 = vector.broadcast %jit3A_962 : i32 to vector<16xi32>
    %rem3A_984 = arith.remsi %add3A_961, %rem3A_983 : vector<16xi32>
    %ne3A_985 = arith.constant 0 : i32
    %ne3A_986 = vector.broadcast %ne3A_985 : i32 to vector<16xi32>
    %ne3A_987 = arith.cmpi ne, %rem3A_984, %ne3A_986 : vector<16xi32>
    %and3A_988 = arith.andi %ne3A_982, %ne3A_987 : vector<16xi1>
    %sub3A_989 = arith.constant 1 : i32
    %sub3A_990 = vector.broadcast %sub3A_989 : i32 to vector<16xi32>
    %sub3A_991 = arith.subi %div3A_964, %sub3A_990 : vector<16xi32>
    %select_n3A_992 = arith.select %and3A_988, %sub3A_991, %div3A_964 : vector<16xi1>, vector<16xi32>
    %eq3A_993 = arith.cmpi eq, %select_n3A_992, %broadcast_in_dim3A_51 : vector<16xi32>
    %convert_element_type3A_994 = arith.extui %eq3A_993 : vector<16xi1> to vector<16xi32>
    %convert_element_type3A_995 = arith.sitofp %convert_element_type3A_994 : vector<16xi32> to vector<16xf32>
    %eq3A_996 = arith.cmpi eq, %select_n3A_992, %broadcast_in_dim3A_57 : vector<16xi32>
    %convert_element_type3A_997 = arith.extui %eq3A_996 : vector<16xi1> to vector<16xi32>
    %convert_element_type3A_998 = arith.sitofp %convert_element_type3A_997 : vector<16xi32> to vector<16xf32>
    %add3A_999 = arith.addf %convert_element_type3A_995, %convert_element_type3A_998 : vector<16xf32>
    %swap3A_1000 = arith.constant 336 : index
    %swap3A_1001 = tpu.vector_load %arg5[%swap3A_1000] {strides = array<i32>} : memref<512xf32, #tpu.memory_space<vmem>>, vector<16xf32>,
    tpu.vector_store %arg5[%swap3A_1000], %add3A_999 {strides = array<i32>} : memref<512xf32, #tpu.memory_space<vmem>>, vector<16xf32>,
    %add3A_1002 = arith.constant 352 : i32
    %add3A_1003 = vector.broadcast %add3A_1002 : i32 to vector<16xi32>
    %add3A_1004 = arith.addi %iota3A, %add3A_1003 : vector<16xi32>
    %jit3A_1005 = arith.constant 4 : i32
    %div3A_1006 = vector.broadcast %jit3A_1005 : i32 to vector<16xi32>
    %div3A_1007 = arith.divsi %add3A_1004, %div3A_1006 : vector<16xi32>
    %sign3A_1008 = arith.constant 0 : i32
    %sign3A_1009 = vector.broadcast %sign3A_1008 : i32 to vector<16xi32>
    %sign3A_1010 = arith.cmpi sgt, %add3A_1004, %sign3A_1009 : vector<16xi32>
    %sign3A_1011 = arith.extui %sign3A_1010 : vector<16xi1> to vector<16xi32>
    %sign3A_1012 = arith.constant 0 : i32
    %sign3A_1013 = vector.broadcast %sign3A_1012 : i32 to vector<16xi32>
    %sign3A_1014 = arith.cmpi slt, %add3A_1004, %sign3A_1013 : vector<16xi32>
    %sign3A_1015 = arith.extui %sign3A_1014 : vector<16xi1> to vector<16xi32>
    %sign3A_1016 = arith.subi %sign3A_1011, %sign3A_1015 : vector<16xi32>
    %sign3A_1017 = arith.constant 0 : i32
    %sign3A_1018 = arith.cmpi sgt, %jit3A_1005, %sign3A_1017 : i32
    %sign3A_1019 = arith.extui %sign3A_1018 : i1 to i32
    %sign3A_1020 = arith.constant 0 : i32
    %sign3A_1021 = arith.cmpi slt, %jit3A_1005, %sign3A_1020 : i32
    %sign3A_1022 = arith.extui %sign3A_1021 : i1 to i32
    %sign3A_1023 = arith.subi %sign3A_1019, %sign3A_1022 : i32
    %ne3A_1024 = vector.broadcast %sign3A_1023 : i32 to vector<16xi32>
    %ne3A_1025 = arith.cmpi ne, %sign3A_1016, %ne3A_1024 : vector<16xi32>
    %rem3A_1026 = vector.broadcast %jit3A_1005 : i32 to vector<16xi32>
    %rem3A_1027 = arith.remsi %add3A_1004, %rem3A_1026 : vector<16xi32>
    %ne3A_1028 = arith.constant 0 : i32
    %ne3A_1029 = vector.broadcast %ne3A_1028 : i32 to vector<16xi32>
    %ne3A_1030 = arith.cmpi ne, %rem3A_1027, %ne3A_1029 : vector<16xi32>
    %and3A_1031 = arith.andi %ne3A_1025, %ne3A_1030 : vector<16xi1>
    %sub3A_1032 = arith.constant 1 : i32
    %sub3A_1033 = vector.broadcast %sub3A_1032 : i32 to vector<16xi32>
    %sub3A_1034 = arith.subi %div3A_1007, %sub3A_1033 : vector<16xi32>
    %select_n3A_1035 = arith.select %and3A_1031, %sub3A_1034, %div3A_1007 : vector<16xi1>, vector<16xi32>
    %eq3A_1036 = arith.cmpi eq, %select_n3A_1035, %broadcast_in_dim3A_51 : vector<16xi32>
    %convert_element_type3A_1037 = arith.extui %eq3A_1036 : vector<16xi1> to vector<16xi32>
    %convert_element_type3A_1038 = arith.sitofp %convert_element_type3A_1037 : vector<16xi32> to vector<16xf32>
    %eq3A_1039 = arith.cmpi eq, %select_n3A_1035, %broadcast_in_dim3A_57 : vector<16xi32>
    %convert_element_type3A_1040 = arith.extui %eq3A_1039 : vector<16xi1> to vector<16xi32>
    %convert_element_type3A_1041 = arith.sitofp %convert_element_type3A_1040 : vector<16xi32> to vector<16xf32>
    %add3A_1042 = arith.addf %convert_element_type3A_1038, %convert_element_type3A_1041 : vector<16xf32>
    %swap3A_1043 = arith.constant 352 : index
    %swap3A_1044 = tpu.vector_load %arg5[%swap3A_1043] {strides = array<i32>} : memref<512xf32, #tpu.memory_space<vmem>>, vector<16xf32>,
    tpu.vector_store %arg5[%swap3A_1043], %add3A_1042 {strides = array<i32>} : memref<512xf32, #tpu.memory_space<vmem>>, vector<16xf32>,
    %add3A_1045 = arith.constant 368 : i32
    %add3A_1046 = vector.broadcast %add3A_1045 : i32 to vector<16xi32>
    %add3A_1047 = arith.addi %iota3A, %add3A_1046 : vector<16xi32>
    %jit3A_1048 = arith.constant 4 : i32
    %div3A_1049 = vector.broadcast %jit3A_1048 : i32 to vector<16xi32>
    %div3A_1050 = arith.divsi %add3A_1047, %div3A_1049 : vector<16xi32>
    %sign3A_1051 = arith.constant 0 : i32
    %sign3A_1052 = vector.broadcast %sign3A_1051 : i32 to vector<16xi32>
    %sign3A_1053 = arith.cmpi sgt, %add3A_1047, %sign3A_1052 : vector<16xi32>
    %sign3A_1054 = arith.extui %sign3A_1053 : vector<16xi1> to vector<16xi32>
    %sign3A_1055 = arith.constant 0 : i32
    %sign3A_1056 = vector.broadcast %sign3A_1055 : i32 to vector<16xi32>
    %sign3A_1057 = arith.cmpi slt, %add3A_1047, %sign3A_1056 : vector<16xi32>
    %sign3A_1058 = arith.extui %sign3A_1057 : vector<16xi1> to vector<16xi32>
    %sign3A_1059 = arith.subi %sign3A_1054, %sign3A_1058 : vector<16xi32>
    %sign3A_1060 = arith.constant 0 : i32
    %sign3A_1061 = arith.cmpi sgt, %jit3A_1048, %sign3A_1060 : i32
    %sign3A_1062 = arith.extui %sign3A_1061 : i1 to i32
    %sign3A_1063 = arith.constant 0 : i32
    %sign3A_1064 = arith.cmpi slt, %jit3A_1048, %sign3A_1063 : i32
    %sign3A_1065 = arith.extui %sign3A_1064 : i1 to i32
    %sign3A_1066 = arith.subi %sign3A_1062, %sign3A_1065 : i32
    %ne3A_1067 = vector.broadcast %sign3A_1066 : i32 to vector<16xi32>
    %ne3A_1068 = arith.cmpi ne, %sign3A_1059, %ne3A_1067 : vector<16xi32>
    %rem3A_1069 = vector.broadcast %jit3A_1048 : i32 to vector<16xi32>
    %rem3A_1070 = arith.remsi %add3A_1047, %rem3A_1069 : vector<16xi32>
    %ne3A_1071 = arith.constant 0 : i32
    %ne3A_1072 = vector.broadcast %ne3A_1071 : i32 to vector<16xi32>
    %ne3A_1073 = arith.cmpi ne, %rem3A_1070, %ne3A_1072 : vector<16xi32>
    %and3A_1074 = arith.andi %ne3A_1068, %ne3A_1073 : vector<16xi1>
    %sub3A_1075 = arith.constant 1 : i32
    %sub3A_1076 = vector.broadcast %sub3A_1075 : i32 to vector<16xi32>
    %sub3A_1077 = arith.subi %div3A_1050, %sub3A_1076 : vector<16xi32>
    %select_n3A_1078 = arith.select %and3A_1074, %sub3A_1077, %div3A_1050 : vector<16xi1>, vector<16xi32>
    %eq3A_1079 = arith.cmpi eq, %select_n3A_1078, %broadcast_in_dim3A_51 : vector<16xi32>
    %convert_element_type3A_1080 = arith.extui %eq3A_1079 : vector<16xi1> to vector<16xi32>
    %convert_element_type3A_1081 = arith.sitofp %convert_element_type3A_1080 : vector<16xi32> to vector<16xf32>
    %eq3A_1082 = arith.cmpi eq, %select_n3A_1078, %broadcast_in_dim3A_57 : vector<16xi32>
    %convert_element_type3A_1083 = arith.extui %eq3A_1082 : vector<16xi1> to vector<16xi32>
    %convert_element_type3A_1084 = arith.sitofp %convert_element_type3A_1083 : vector<16xi32> to vector<16xf32>
    %add3A_1085 = arith.addf %convert_element_type3A_1081, %convert_element_type3A_1084 : vector<16xf32>
    %swap3A_1086 = arith.constant 368 : index
    %swap3A_1087 = tpu.vector_load %arg5[%swap3A_1086] {strides = array<i32>} : memref<512xf32, #tpu.memory_space<vmem>>, vector<16xf32>,
    tpu.vector_store %arg5[%swap3A_1086], %add3A_1085 {strides = array<i32>} : memref<512xf32, #tpu.memory_space<vmem>>, vector<16xf32>,
    %add3A_1088 = arith.constant 384 : i32
    %add3A_1089 = vector.broadcast %add3A_1088 : i32 to vector<16xi32>
    %add3A_1090 = arith.addi %iota3A, %add3A_1089 : vector<16xi32>
    %jit3A_1091 = arith.constant 4 : i32
    %div3A_1092 = vector.broadcast %jit3A_1091 : i32 to vector<16xi32>
    %div3A_1093 = arith.divsi %add3A_1090, %div3A_1092 : vector<16xi32>
    %sign3A_1094 = arith.constant 0 : i32
    %sign3A_1095 = vector.broadcast %sign3A_1094 : i32 to vector<16xi32>
    %sign3A_1096 = arith.cmpi sgt, %add3A_1090, %sign3A_1095 : vector<16xi32>
    %sign3A_1097 = arith.extui %sign3A_1096 : vector<16xi1> to vector<16xi32>
    %sign3A_1098 = arith.constant 0 : i32
    %sign3A_1099 = vector.broadcast %sign3A_1098 : i32 to vector<16xi32>
    %sign3A_1100 = arith.cmpi slt, %add3A_1090, %sign3A_1099 : vector<16xi32>
    %sign3A_1101 = arith.extui %sign3A_1100 : vector<16xi1> to vector<16xi32>
    %sign3A_1102 = arith.subi %sign3A_1097, %sign3A_1101 : vector<16xi32>
    %sign3A_1103 = arith.constant 0 : i32
    %sign3A_1104 = arith.cmpi sgt, %jit3A_1091, %sign3A_1103 : i32
    %sign3A_1105 = arith.extui %sign3A_1104 : i1 to i32
    %sign3A_1106 = arith.constant 0 : i32
    %sign3A_1107 = arith.cmpi slt, %jit3A_1091, %sign3A_1106 : i32
    %sign3A_1108 = arith.extui %sign3A_1107 : i1 to i32
    %sign3A_1109 = arith.subi %sign3A_1105, %sign3A_1108 : i32
    %ne3A_1110 = vector.broadcast %sign3A_1109 : i32 to vector<16xi32>
    %ne3A_1111 = arith.cmpi ne, %sign3A_1102, %ne3A_1110 : vector<16xi32>
    %rem3A_1112 = vector.broadcast %jit3A_1091 : i32 to vector<16xi32>
    %rem3A_1113 = arith.remsi %add3A_1090, %rem3A_1112 : vector<16xi32>
    %ne3A_1114 = arith.constant 0 : i32
    %ne3A_1115 = vector.broadcast %ne3A_1114 : i32 to vector<16xi32>
    %ne3A_1116 = arith.cmpi ne, %rem3A_1113, %ne3A_1115 : vector<16xi32>
    %and3A_1117 = arith.andi %ne3A_1111, %ne3A_1116 : vector<16xi1>
    %sub3A_1118 = arith.constant 1 : i32
    %sub3A_1119 = vector.broadcast %sub3A_1118 : i32 to vector<16xi32>
    %sub3A_1120 = arith.subi %div3A_1093, %sub3A_1119 : vector<16xi32>
    %select_n3A_1121 = arith.select %and3A_1117, %sub3A_1120, %div3A_1093 : vector<16xi1>, vector<16xi32>
    %eq3A_1122 = arith.cmpi eq, %select_n3A_1121, %broadcast_in_dim3A_51 : vector<16xi32>
    %convert_element_type3A_1123 = arith.extui %eq3A_1122 : vector<16xi1> to vector<16xi32>
    %convert_element_type3A_1124 = arith.sitofp %convert_element_type3A_1123 : vector<16xi32> to vector<16xf32>
    %eq3A_1125 = arith.cmpi eq, %select_n3A_1121, %broadcast_in_dim3A_57 : vector<16xi32>
    %convert_element_type3A_1126 = arith.extui %eq3A_1125 : vector<16xi1> to vector<16xi32>
    %convert_element_type3A_1127 = arith.sitofp %convert_element_type3A_1126 : vector<16xi32> to vector<16xf32>
    %add3A_1128 = arith.addf %convert_element_type3A_1124, %convert_element_type3A_1127 : vector<16xf32>
    %swap3A_1129 = arith.constant 384 : index
    %swap3A_1130 = tpu.vector_load %arg5[%swap3A_1129] {strides = array<i32>} : memref<512xf32, #tpu.memory_space<vmem>>, vector<16xf32>,
    tpu.vector_store %arg5[%swap3A_1129], %add3A_1128 {strides = array<i32>} : memref<512xf32, #tpu.memory_space<vmem>>, vector<16xf32>,
    %add3A_1131 = arith.constant 400 : i32
    %add3A_1132 = vector.broadcast %add3A_1131 : i32 to vector<16xi32>
    %add3A_1133 = arith.addi %iota3A, %add3A_1132 : vector<16xi32>
    %jit3A_1134 = arith.constant 4 : i32
    %div3A_1135 = vector.broadcast %jit3A_1134 : i32 to vector<16xi32>
    %div3A_1136 = arith.divsi %add3A_1133, %div3A_1135 : vector<16xi32>
    %sign3A_1137 = arith.constant 0 : i32
    %sign3A_1138 = vector.broadcast %sign3A_1137 : i32 to vector<16xi32>
    %sign3A_1139 = arith.cmpi sgt, %add3A_1133, %sign3A_1138 : vector<16xi32>
    %sign3A_1140 = arith.extui %sign3A_1139 : vector<16xi1> to vector<16xi32>
    %sign3A_1141 = arith.constant 0 : i32
    %sign3A_1142 = vector.broadcast %sign3A_1141 : i32 to vector<16xi32>
    %sign3A_1143 = arith.cmpi slt, %add3A_1133, %sign3A_1142 : vector<16xi32>
    %sign3A_1144 = arith.extui %sign3A_1143 : vector<16xi1> to vector<16xi32>
    %sign3A_1145 = arith.subi %sign3A_1140, %sign3A_1144 : vector<16xi32>
    %sign3A_1146 = arith.constant 0 : i32
    %sign3A_1147 = arith.cmpi sgt, %jit3A_1134, %sign3A_1146 : i32
    %sign3A_1148 = arith.extui %sign3A_1147 : i1 to i32
    %sign3A_1149 = arith.constant 0 : i32
    %sign3A_1150 = arith.cmpi slt, %jit3A_1134, %sign3A_1149 : i32
    %sign3A_1151 = arith.extui %sign3A_1150 : i1 to i32
    %sign3A_1152 = arith.subi %sign3A_1148, %sign3A_1151 : i32
    %ne3A_1153 = vector.broadcast %sign3A_1152 : i32 to vector<16xi32>
    %ne3A_1154 = arith.cmpi ne, %sign3A_1145, %ne3A_1153 : vector<16xi32>
    %rem3A_1155 = vector.broadcast %jit3A_1134 : i32 to vector<16xi32>
    %rem3A_1156 = arith.remsi %add3A_1133, %rem3A_1155 : vector<16xi32>
    %ne3A_1157 = arith.constant 0 : i32
    %ne3A_1158 = vector.broadcast %ne3A_1157 : i32 to vector<16xi32>
    %ne3A_1159 = arith.cmpi ne, %rem3A_1156, %ne3A_1158 : vector<16xi32>
    %and3A_1160 = arith.andi %ne3A_1154, %ne3A_1159 : vector<16xi1>
    %sub3A_1161 = arith.constant 1 : i32
    %sub3A_1162 = vector.broadcast %sub3A_1161 : i32 to vector<16xi32>
    %sub3A_1163 = arith.subi %div3A_1136, %sub3A_1162 : vector<16xi32>
    %select_n3A_1164 = arith.select %and3A_1160, %sub3A_1163, %div3A_1136 : vector<16xi1>, vector<16xi32>
    %eq3A_1165 = arith.cmpi eq, %select_n3A_1164, %broadcast_in_dim3A_51 : vector<16xi32>
    %convert_element_type3A_1166 = arith.extui %eq3A_1165 : vector<16xi1> to vector<16xi32>
    %convert_element_type3A_1167 = arith.sitofp %convert_element_type3A_1166 : vector<16xi32> to vector<16xf32>
    %eq3A_1168 = arith.cmpi eq, %select_n3A_1164, %broadcast_in_dim3A_57 : vector<16xi32>
    %convert_element_type3A_1169 = arith.extui %eq3A_1168 : vector<16xi1> to vector<16xi32>
    %convert_element_type3A_1170 = arith.sitofp %convert_element_type3A_1169 : vector<16xi32> to vector<16xf32>
    %add3A_1171 = arith.addf %convert_element_type3A_1167, %convert_element_type3A_1170 : vector<16xf32>
    %swap3A_1172 = arith.constant 400 : index
    %swap3A_1173 = tpu.vector_load %arg5[%swap3A_1172] {strides = array<i32>} : memref<512xf32, #tpu.memory_space<vmem>>, vector<16xf32>,
    tpu.vector_store %arg5[%swap3A_1172], %add3A_1171 {strides = array<i32>} : memref<512xf32, #tpu.memory_space<vmem>>, vector<16xf32>,
    %add3A_1174 = arith.constant 416 : i32
    %add3A_1175 = vector.broadcast %add3A_1174 : i32 to vector<16xi32>
    %add3A_1176 = arith.addi %iota3A, %add3A_1175 : vector<16xi32>
    %jit3A_1177 = arith.constant 4 : i32
    %div3A_1178 = vector.broadcast %jit3A_1177 : i32 to vector<16xi32>
    %div3A_1179 = arith.divsi %add3A_1176, %div3A_1178 : vector<16xi32>
    %sign3A_1180 = arith.constant 0 : i32
    %sign3A_1181 = vector.broadcast %sign3A_1180 : i32 to vector<16xi32>
    %sign3A_1182 = arith.cmpi sgt, %add3A_1176, %sign3A_1181 : vector<16xi32>
    %sign3A_1183 = arith.extui %sign3A_1182 : vector<16xi1> to vector<16xi32>
    %sign3A_1184 = arith.constant 0 : i32
    %sign3A_1185 = vector.broadcast %sign3A_1184 : i32 to vector<16xi32>
    %sign3A_1186 = arith.cmpi slt, %add3A_1176, %sign3A_1185 : vector<16xi32>
    %sign3A_1187 = arith.extui %sign3A_1186 : vector<16xi1> to vector<16xi32>
    %sign3A_1188 = arith.subi %sign3A_1183, %sign3A_1187 : vector<16xi32>
    %sign3A_1189 = arith.constant 0 : i32
    %sign3A_1190 = arith.cmpi sgt, %jit3A_1177, %sign3A_1189 : i32
    %sign3A_1191 = arith.extui %sign3A_1190 : i1 to i32
    %sign3A_1192 = arith.constant 0 : i32
    %sign3A_1193 = arith.cmpi slt, %jit3A_1177, %sign3A_1192 : i32
    %sign3A_1194 = arith.extui %sign3A_1193 : i1 to i32
    %sign3A_1195 = arith.subi %sign3A_1191, %sign3A_1194 : i32
    %ne3A_1196 = vector.broadcast %sign3A_1195 : i32 to vector<16xi32>
    %ne3A_1197 = arith.cmpi ne, %sign3A_1188, %ne3A_1196 : vector<16xi32>
    %rem3A_1198 = vector.broadcast %jit3A_1177 : i32 to vector<16xi32>
    %rem3A_1199 = arith.remsi %add3A_1176, %rem3A_1198 : vector<16xi32>
    %ne3A_1200 = arith.constant 0 : i32
    %ne3A_1201 = vector.broadcast %ne3A_1200 : i32 to vector<16xi32>
    %ne3A_1202 = arith.cmpi ne, %rem3A_1199, %ne3A_1201 : vector<16xi32>
    %and3A_1203 = arith.andi %ne3A_1197, %ne3A_1202 : vector<16xi1>
    %sub3A_1204 = arith.constant 1 : i32
    %sub3A_1205 = vector.broadcast %sub3A_1204 : i32 to vector<16xi32>
    %sub3A_1206 = arith.subi %div3A_1179, %sub3A_1205 : vector<16xi32>
    %select_n3A_1207 = arith.select %and3A_1203, %sub3A_1206, %div3A_1179 : vector<16xi1>, vector<16xi32>
    %eq3A_1208 = arith.cmpi eq, %select_n3A_1207, %broadcast_in_dim3A_51 : vector<16xi32>
    %convert_element_type3A_1209 = arith.extui %eq3A_1208 : vector<16xi1> to vector<16xi32>
    %convert_element_type3A_1210 = arith.sitofp %convert_element_type3A_1209 : vector<16xi32> to vector<16xf32>
    %eq3A_1211 = arith.cmpi eq, %select_n3A_1207, %broadcast_in_dim3A_57 : vector<16xi32>
    %convert_element_type3A_1212 = arith.extui %eq3A_1211 : vector<16xi1> to vector<16xi32>
    %convert_element_type3A_1213 = arith.sitofp %convert_element_type3A_1212 : vector<16xi32> to vector<16xf32>
    %add3A_1214 = arith.addf %convert_element_type3A_1210, %convert_element_type3A_1213 : vector<16xf32>
    %swap3A_1215 = arith.constant 416 : index
    %swap3A_1216 = tpu.vector_load %arg5[%swap3A_1215] {strides = array<i32>} : memref<512xf32, #tpu.memory_space<vmem>>, vector<16xf32>,
    tpu.vector_store %arg5[%swap3A_1215], %add3A_1214 {strides = array<i32>} : memref<512xf32, #tpu.memory_space<vmem>>, vector<16xf32>,
    %add3A_1217 = arith.constant 432 : i32
    %add3A_1218 = vector.broadcast %add3A_1217 : i32 to vector<16xi32>
    %add3A_1219 = arith.addi %iota3A, %add3A_1218 : vector<16xi32>
    %jit3A_1220 = arith.constant 4 : i32
    %div3A_1221 = vector.broadcast %jit3A_1220 : i32 to vector<16xi32>
    %div3A_1222 = arith.divsi %add3A_1219, %div3A_1221 : vector<16xi32>
    %sign3A_1223 = arith.constant 0 : i32
    %sign3A_1224 = vector.broadcast %sign3A_1223 : i32 to vector<16xi32>
    %sign3A_1225 = arith.cmpi sgt, %add3A_1219, %sign3A_1224 : vector<16xi32>
    %sign3A_1226 = arith.extui %sign3A_1225 : vector<16xi1> to vector<16xi32>
    %sign3A_1227 = arith.constant 0 : i32
    %sign3A_1228 = vector.broadcast %sign3A_1227 : i32 to vector<16xi32>
    %sign3A_1229 = arith.cmpi slt, %add3A_1219, %sign3A_1228 : vector<16xi32>
    %sign3A_1230 = arith.extui %sign3A_1229 : vector<16xi1> to vector<16xi32>
    %sign3A_1231 = arith.subi %sign3A_1226, %sign3A_1230 : vector<16xi32>
    %sign3A_1232 = arith.constant 0 : i32
    %sign3A_1233 = arith.cmpi sgt, %jit3A_1220, %sign3A_1232 : i32
    %sign3A_1234 = arith.extui %sign3A_1233 : i1 to i32
    %sign3A_1235 = arith.constant 0 : i32
    %sign3A_1236 = arith.cmpi slt, %jit3A_1220, %sign3A_1235 : i32
    %sign3A_1237 = arith.extui %sign3A_1236 : i1 to i32
    %sign3A_1238 = arith.subi %sign3A_1234, %sign3A_1237 : i32
    %ne3A_1239 = vector.broadcast %sign3A_1238 : i32 to vector<16xi32>
    %ne3A_1240 = arith.cmpi ne, %sign3A_1231, %ne3A_1239 : vector<16xi32>
    %rem3A_1241 = vector.broadcast %jit3A_1220 : i32 to vector<16xi32>
    %rem3A_1242 = arith.remsi %add3A_1219, %rem3A_1241 : vector<16xi32>
    %ne3A_1243 = arith.constant 0 : i32
    %ne3A_1244 = vector.broadcast %ne3A_1243 : i32 to vector<16xi32>
    %ne3A_1245 = arith.cmpi ne, %rem3A_1242, %ne3A_1244 : vector<16xi32>
    %and3A_1246 = arith.andi %ne3A_1240, %ne3A_1245 : vector<16xi1>
    %sub3A_1247 = arith.constant 1 : i32
    %sub3A_1248 = vector.broadcast %sub3A_1247 : i32 to vector<16xi32>
    %sub3A_1249 = arith.subi %div3A_1222, %sub3A_1248 : vector<16xi32>
    %select_n3A_1250 = arith.select %and3A_1246, %sub3A_1249, %div3A_1222 : vector<16xi1>, vector<16xi32>
    %eq3A_1251 = arith.cmpi eq, %select_n3A_1250, %broadcast_in_dim3A_51 : vector<16xi32>
    %convert_element_type3A_1252 = arith.extui %eq3A_1251 : vector<16xi1> to vector<16xi32>
    %convert_element_type3A_1253 = arith.sitofp %convert_element_type3A_1252 : vector<16xi32> to vector<16xf32>
    %eq3A_1254 = arith.cmpi eq, %select_n3A_1250, %broadcast_in_dim3A_57 : vector<16xi32>
    %convert_element_type3A_1255 = arith.extui %eq3A_1254 : vector<16xi1> to vector<16xi32>
    %convert_element_type3A_1256 = arith.sitofp %convert_element_type3A_1255 : vector<16xi32> to vector<16xf32>
    %add3A_1257 = arith.addf %convert_element_type3A_1253, %convert_element_type3A_1256 : vector<16xf32>
    %swap3A_1258 = arith.constant 432 : index
    %swap3A_1259 = tpu.vector_load %arg5[%swap3A_1258] {strides = array<i32>} : memref<512xf32, #tpu.memory_space<vmem>>, vector<16xf32>,
    tpu.vector_store %arg5[%swap3A_1258], %add3A_1257 {strides = array<i32>} : memref<512xf32, #tpu.memory_space<vmem>>, vector<16xf32>,
    %add3A_1260 = arith.constant 448 : i32
    %add3A_1261 = vector.broadcast %add3A_1260 : i32 to vector<16xi32>
    %add3A_1262 = arith.addi %iota3A, %add3A_1261 : vector<16xi32>
    %jit3A_1263 = arith.constant 4 : i32
    %div3A_1264 = vector.broadcast %jit3A_1263 : i32 to vector<16xi32>
    %div3A_1265 = arith.divsi %add3A_1262, %div3A_1264 : vector<16xi32>
    %sign3A_1266 = arith.constant 0 : i32
    %sign3A_1267 = vector.broadcast %sign3A_1266 : i32 to vector<16xi32>
    %sign3A_1268 = arith.cmpi sgt, %add3A_1262, %sign3A_1267 : vector<16xi32>
    %sign3A_1269 = arith.extui %sign3A_1268 : vector<16xi1> to vector<16xi32>
    %sign3A_1270 = arith.constant 0 : i32
    %sign3A_1271 = vector.broadcast %sign3A_1270 : i32 to vector<16xi32>
    %sign3A_1272 = arith.cmpi slt, %add3A_1262, %sign3A_1271 : vector<16xi32>
    %sign3A_1273 = arith.extui %sign3A_1272 : vector<16xi1> to vector<16xi32>
    %sign3A_1274 = arith.subi %sign3A_1269, %sign3A_1273 : vector<16xi32>
    %sign3A_1275 = arith.constant 0 : i32
    %sign3A_1276 = arith.cmpi sgt, %jit3A_1263, %sign3A_1275 : i32
    %sign3A_1277 = arith.extui %sign3A_1276 : i1 to i32
    %sign3A_1278 = arith.constant 0 : i32
    %sign3A_1279 = arith.cmpi slt, %jit3A_1263, %sign3A_1278 : i32
    %sign3A_1280 = arith.extui %sign3A_1279 : i1 to i32
    %sign3A_1281 = arith.subi %sign3A_1277, %sign3A_1280 : i32
    %ne3A_1282 = vector.broadcast %sign3A_1281 : i32 to vector<16xi32>
    %ne3A_1283 = arith.cmpi ne, %sign3A_1274, %ne3A_1282 : vector<16xi32>
    %rem3A_1284 = vector.broadcast %jit3A_1263 : i32 to vector<16xi32>
    %rem3A_1285 = arith.remsi %add3A_1262, %rem3A_1284 : vector<16xi32>
    %ne3A_1286 = arith.constant 0 : i32
    %ne3A_1287 = vector.broadcast %ne3A_1286 : i32 to vector<16xi32>
    %ne3A_1288 = arith.cmpi ne, %rem3A_1285, %ne3A_1287 : vector<16xi32>
    %and3A_1289 = arith.andi %ne3A_1283, %ne3A_1288 : vector<16xi1>
    %sub3A_1290 = arith.constant 1 : i32
    %sub3A_1291 = vector.broadcast %sub3A_1290 : i32 to vector<16xi32>
    %sub3A_1292 = arith.subi %div3A_1265, %sub3A_1291 : vector<16xi32>
    %select_n3A_1293 = arith.select %and3A_1289, %sub3A_1292, %div3A_1265 : vector<16xi1>, vector<16xi32>
    %eq3A_1294 = arith.cmpi eq, %select_n3A_1293, %broadcast_in_dim3A_51 : vector<16xi32>
    %convert_element_type3A_1295 = arith.extui %eq3A_1294 : vector<16xi1> to vector<16xi32>
    %convert_element_type3A_1296 = arith.sitofp %convert_element_type3A_1295 : vector<16xi32> to vector<16xf32>
    %eq3A_1297 = arith.cmpi eq, %select_n3A_1293, %broadcast_in_dim3A_57 : vector<16xi32>
    %convert_element_type3A_1298 = arith.extui %eq3A_1297 : vector<16xi1> to vector<16xi32>
    %convert_element_type3A_1299 = arith.sitofp %convert_element_type3A_1298 : vector<16xi32> to vector<16xf32>
    %add3A_1300 = arith.addf %convert_element_type3A_1296, %convert_element_type3A_1299 : vector<16xf32>
    %swap3A_1301 = arith.constant 448 : index
    %swap3A_1302 = tpu.vector_load %arg5[%swap3A_1301] {strides = array<i32>} : memref<512xf32, #tpu.memory_space<vmem>>, vector<16xf32>,
    tpu.vector_store %arg5[%swap3A_1301], %add3A_1300 {strides = array<i32>} : memref<512xf32, #tpu.memory_space<vmem>>, vector<16xf32>,
    %add3A_1303 = arith.constant 464 : i32
    %add3A_1304 = vector.broadcast %add3A_1303 : i32 to vector<16xi32>
    %add3A_1305 = arith.addi %iota3A, %add3A_1304 : vector<16xi32>
    %jit3A_1306 = arith.constant 4 : i32
    %div3A_1307 = vector.broadcast %jit3A_1306 : i32 to vector<16xi32>
    %div3A_1308 = arith.divsi %add3A_1305, %div3A_1307 : vector<16xi32>
    %sign3A_1309 = arith.constant 0 : i32
    %sign3A_1310 = vector.broadcast %sign3A_1309 : i32 to vector<16xi32>
    %sign3A_1311 = arith.cmpi sgt, %add3A_1305, %sign3A_1310 : vector<16xi32>
    %sign3A_1312 = arith.extui %sign3A_1311 : vector<16xi1> to vector<16xi32>
    %sign3A_1313 = arith.constant 0 : i32
    %sign3A_1314 = vector.broadcast %sign3A_1313 : i32 to vector<16xi32>
    %sign3A_1315 = arith.cmpi slt, %add3A_1305, %sign3A_1314 : vector<16xi32>
    %sign3A_1316 = arith.extui %sign3A_1315 : vector<16xi1> to vector<16xi32>
    %sign3A_1317 = arith.subi %sign3A_1312, %sign3A_1316 : vector<16xi32>
    %sign3A_1318 = arith.constant 0 : i32
    %sign3A_1319 = arith.cmpi sgt, %jit3A_1306, %sign3A_1318 : i32
    %sign3A_1320 = arith.extui %sign3A_1319 : i1 to i32
    %sign3A_1321 = arith.constant 0 : i32
    %sign3A_1322 = arith.cmpi slt, %jit3A_1306, %sign3A_1321 : i32
    %sign3A_1323 = arith.extui %sign3A_1322 : i1 to i32
    %sign3A_1324 = arith.subi %sign3A_1320, %sign3A_1323 : i32
    %ne3A_1325 = vector.broadcast %sign3A_1324 : i32 to vector<16xi32>
    %ne3A_1326 = arith.cmpi ne, %sign3A_1317, %ne3A_1325 : vector<16xi32>
    %rem3A_1327 = vector.broadcast %jit3A_1306 : i32 to vector<16xi32>
    %rem3A_1328 = arith.remsi %add3A_1305, %rem3A_1327 : vector<16xi32>
    %ne3A_1329 = arith.constant 0 : i32
    %ne3A_1330 = vector.broadcast %ne3A_1329 : i32 to vector<16xi32>
    %ne3A_1331 = arith.cmpi ne, %rem3A_1328, %ne3A_1330 : vector<16xi32>
    %and3A_1332 = arith.andi %ne3A_1326, %ne3A_1331 : vector<16xi1>
    %sub3A_1333 = arith.constant 1 : i32
    %sub3A_1334 = vector.broadcast %sub3A_1333 : i32 to vector<16xi32>
    %sub3A_1335 = arith.subi %div3A_1308, %sub3A_1334 : vector<16xi32>
    %select_n3A_1336 = arith.select %and3A_1332, %sub3A_1335, %div3A_1308 : vector<16xi1>, vector<16xi32>
    %eq3A_1337 = arith.cmpi eq, %select_n3A_1336, %broadcast_in_dim3A_51 : vector<16xi32>
    %convert_element_type3A_1338 = arith.extui %eq3A_1337 : vector<16xi1> to vector<16xi32>
    %convert_element_type3A_1339 = arith.sitofp %convert_element_type3A_1338 : vector<16xi32> to vector<16xf32>
    %eq3A_1340 = arith.cmpi eq, %select_n3A_1336, %broadcast_in_dim3A_57 : vector<16xi32>
    %convert_element_type3A_1341 = arith.extui %eq3A_1340 : vector<16xi1> to vector<16xi32>
    %convert_element_type3A_1342 = arith.sitofp %convert_element_type3A_1341 : vector<16xi32> to vector<16xf32>
    %add3A_1343 = arith.addf %convert_element_type3A_1339, %convert_element_type3A_1342 : vector<16xf32>
    %swap3A_1344 = arith.constant 464 : index
    %swap3A_1345 = tpu.vector_load %arg5[%swap3A_1344] {strides = array<i32>} : memref<512xf32, #tpu.memory_space<vmem>>, vector<16xf32>,
    tpu.vector_store %arg5[%swap3A_1344], %add3A_1343 {strides = array<i32>} : memref<512xf32, #tpu.memory_space<vmem>>, vector<16xf32>,
    %add3A_1346 = arith.constant 480 : i32
    %add3A_1347 = vector.broadcast %add3A_1346 : i32 to vector<16xi32>
    %add3A_1348 = arith.addi %iota3A, %add3A_1347 : vector<16xi32>
    %jit3A_1349 = arith.constant 4 : i32
    %div3A_1350 = vector.broadcast %jit3A_1349 : i32 to vector<16xi32>
    %div3A_1351 = arith.divsi %add3A_1348, %div3A_1350 : vector<16xi32>
    %sign3A_1352 = arith.constant 0 : i32
    %sign3A_1353 = vector.broadcast %sign3A_1352 : i32 to vector<16xi32>
    %sign3A_1354 = arith.cmpi sgt, %add3A_1348, %sign3A_1353 : vector<16xi32>
    %sign3A_1355 = arith.extui %sign3A_1354 : vector<16xi1> to vector<16xi32>
    %sign3A_1356 = arith.constant 0 : i32
    %sign3A_1357 = vector.broadcast %sign3A_1356 : i32 to vector<16xi32>
    %sign3A_1358 = arith.cmpi slt, %add3A_1348, %sign3A_1357 : vector<16xi32>
    %sign3A_1359 = arith.extui %sign3A_1358 : vector<16xi1> to vector<16xi32>
    %sign3A_1360 = arith.subi %sign3A_1355, %sign3A_1359 : vector<16xi32>
    %sign3A_1361 = arith.constant 0 : i32
    %sign3A_1362 = arith.cmpi sgt, %jit3A_1349, %sign3A_1361 : i32
    %sign3A_1363 = arith.extui %sign3A_1362 : i1 to i32
    %sign3A_1364 = arith.constant 0 : i32
    %sign3A_1365 = arith.cmpi slt, %jit3A_1349, %sign3A_1364 : i32
    %sign3A_1366 = arith.extui %sign3A_1365 : i1 to i32
    %sign3A_1367 = arith.subi %sign3A_1363, %sign3A_1366 : i32
    %ne3A_1368 = vector.broadcast %sign3A_1367 : i32 to vector<16xi32>
    %ne3A_1369 = arith.cmpi ne, %sign3A_1360, %ne3A_1368 : vector<16xi32>
    %rem3A_1370 = vector.broadcast %jit3A_1349 : i32 to vector<16xi32>
    %rem3A_1371 = arith.remsi %add3A_1348, %rem3A_1370 : vector<16xi32>
    %ne3A_1372 = arith.constant 0 : i32
    %ne3A_1373 = vector.broadcast %ne3A_1372 : i32 to vector<16xi32>
    %ne3A_1374 = arith.cmpi ne, %rem3A_1371, %ne3A_1373 : vector<16xi32>
    %and3A_1375 = arith.andi %ne3A_1369, %ne3A_1374 : vector<16xi1>
    %sub3A_1376 = arith.constant 1 : i32
    %sub3A_1377 = vector.broadcast %sub3A_1376 : i32 to vector<16xi32>
    %sub3A_1378 = arith.subi %div3A_1351, %sub3A_1377 : vector<16xi32>
    %select_n3A_1379 = arith.select %and3A_1375, %sub3A_1378, %div3A_1351 : vector<16xi1>, vector<16xi32>
    %eq3A_1380 = arith.cmpi eq, %select_n3A_1379, %broadcast_in_dim3A_51 : vector<16xi32>
    %convert_element_type3A_1381 = arith.extui %eq3A_1380 : vector<16xi1> to vector<16xi32>
    %convert_element_type3A_1382 = arith.sitofp %convert_element_type3A_1381 : vector<16xi32> to vector<16xf32>
    %eq3A_1383 = arith.cmpi eq, %select_n3A_1379, %broadcast_in_dim3A_57 : vector<16xi32>
    %convert_element_type3A_1384 = arith.extui %eq3A_1383 : vector<16xi1> to vector<16xi32>
    %convert_element_type3A_1385 = arith.sitofp %convert_element_type3A_1384 : vector<16xi32> to vector<16xf32>
    %add3A_1386 = arith.addf %convert_element_type3A_1382, %convert_element_type3A_1385 : vector<16xf32>
    %swap3A_1387 = arith.constant 480 : index
    %swap3A_1388 = tpu.vector_load %arg5[%swap3A_1387] {strides = array<i32>} : memref<512xf32, #tpu.memory_space<vmem>>, vector<16xf32>,
    tpu.vector_store %arg5[%swap3A_1387], %add3A_1386 {strides = array<i32>} : memref<512xf32, #tpu.memory_space<vmem>>, vector<16xf32>,
    %add3A_1389 = arith.constant 496 : i32
    %add3A_1390 = vector.broadcast %add3A_1389 : i32 to vector<16xi32>
    %add3A_1391 = arith.addi %iota3A, %add3A_1390 : vector<16xi32>
    %jit3A_1392 = arith.constant 4 : i32
    %div3A_1393 = vector.broadcast %jit3A_1392 : i32 to vector<16xi32>
    %div3A_1394 = arith.divsi %add3A_1391, %div3A_1393 : vector<16xi32>
    %sign3A_1395 = arith.constant 0 : i32
    %sign3A_1396 = vector.broadcast %sign3A_1395 : i32 to vector<16xi32>
    %sign3A_1397 = arith.cmpi sgt, %add3A_1391, %sign3A_1396 : vector<16xi32>
    %sign3A_1398 = arith.extui %sign3A_1397 : vector<16xi1> to vector<16xi32>
    %sign3A_1399 = arith.constant 0 : i32
    %sign3A_1400 = vector.broadcast %sign3A_1399 : i32 to vector<16xi32>
    %sign3A_1401 = arith.cmpi slt, %add3A_1391, %sign3A_1400 : vector<16xi32>
    %sign3A_1402 = arith.extui %sign3A_1401 : vector<16xi1> to vector<16xi32>
    %sign3A_1403 = arith.subi %sign3A_1398, %sign3A_1402 : vector<16xi32>
    %sign3A_1404 = arith.constant 0 : i32
    %sign3A_1405 = arith.cmpi sgt, %jit3A_1392, %sign3A_1404 : i32
    %sign3A_1406 = arith.extui %sign3A_1405 : i1 to i32
    %sign3A_1407 = arith.constant 0 : i32
    %sign3A_1408 = arith.cmpi slt, %jit3A_1392, %sign3A_1407 : i32
    %sign3A_1409 = arith.extui %sign3A_1408 : i1 to i32
    %sign3A_1410 = arith.subi %sign3A_1406, %sign3A_1409 : i32
    %ne3A_1411 = vector.broadcast %sign3A_1410 : i32 to vector<16xi32>
    %ne3A_1412 = arith.cmpi ne, %sign3A_1403, %ne3A_1411 : vector<16xi32>
    %rem3A_1413 = vector.broadcast %jit3A_1392 : i32 to vector<16xi32>
    %rem3A_1414 = arith.remsi %add3A_1391, %rem3A_1413 : vector<16xi32>
    %ne3A_1415 = arith.constant 0 : i32
    %ne3A_1416 = vector.broadcast %ne3A_1415 : i32 to vector<16xi32>
    %ne3A_1417 = arith.cmpi ne, %rem3A_1414, %ne3A_1416 : vector<16xi32>
    %and3A_1418 = arith.andi %ne3A_1412, %ne3A_1417 : vector<16xi1>
    %sub3A_1419 = arith.constant 1 : i32
    %sub3A_1420 = vector.broadcast %sub3A_1419 : i32 to vector<16xi32>
    %sub3A_1421 = arith.subi %div3A_1394, %sub3A_1420 : vector<16xi32>
    %select_n3A_1422 = arith.select %and3A_1418, %sub3A_1421, %div3A_1394 : vector<16xi1>, vector<16xi32>
    %eq3A_1423 = arith.cmpi eq, %select_n3A_1422, %broadcast_in_dim3A_51 : vector<16xi32>
    %convert_element_type3A_1424 = arith.extui %eq3A_1423 : vector<16xi1> to vector<16xi32>
    %convert_element_type3A_1425 = arith.sitofp %convert_element_type3A_1424 : vector<16xi32> to vector<16xf32>
    %eq3A_1426 = arith.cmpi eq, %select_n3A_1422, %broadcast_in_dim3A_57 : vector<16xi32>
    %convert_element_type3A_1427 = arith.extui %eq3A_1426 : vector<16xi1> to vector<16xi32>
    %convert_element_type3A_1428 = arith.sitofp %convert_element_type3A_1427 : vector<16xi32> to vector<16xf32>
    %add3A_1429 = arith.addf %convert_element_type3A_1425, %convert_element_type3A_1428 : vector<16xf32>
    %swap3A_1430 = arith.constant 496 : index
    %swap3A_1431 = tpu.vector_load %arg5[%swap3A_1430] {strides = array<i32>} : memref<512xf32, #tpu.memory_space<vmem>>, vector<16xf32>,
    tpu.vector_store %arg5[%swap3A_1430], %add3A_1429 {strides = array<i32>} : memref<512xf32, #tpu.memory_space<vmem>>, vector<16xf32>,
    "tpu.region"() ({
      %run_scoped3A = tpu.sem_alloc : memref<!tpu.dma_semaphore, #tpu.memory_space<semaphore_mem>>
      %dma_start3A = arith.constant 0 : i32
      %dma_start3A_1432 = tpu.memref_slice %arg3[%add3A, %dma_start3A] : memref<32x512xf32, #tpu.memory_space<hbm>> -> memref<1x512xf32, #tpu.memory_space<hbm>>
      %dma_start3A_1433 = tpu.memref_squeeze %dma_start3A_1432 : memref<1x512xf32, #tpu.memory_space<hbm>> -> memref<512xf32, #tpu.memory_space<hbm>>
      %dma_start3A_1434 = arith.constant 0 : i32
      %dma_start3A_1435 = tpu.memref_slice %arg3[%add3A, %dma_start3A_1434] : memref<32x512xf32, #tpu.memory_space<hbm>> -> memref<1x512xf32, #tpu.memory_space<hbm>>
      %dma_start3A_1436 = tpu.memref_squeeze %dma_start3A_1435 : memref<1x512xf32, #tpu.memory_space<hbm>> -> memref<512xf32, #tpu.memory_space<hbm>>
      tpu.enqueue_dma source(%arg5 : memref<512xf32, #tpu.memory_space<vmem>>) target(%dma_start3A_1436 : memref<512xf32, #tpu.memory_space<hbm>>) target_semaphore(%run_scoped3A : memref<!tpu.dma_semaphore, #tpu.memory_space<semaphore_mem>>)
      %dma_wait3A = arith.constant 0 : i32
      %dma_wait3A_1437 = tpu.memref_slice %arg3[%add3A, %dma_wait3A] : memref<32x512xf32, #tpu.memory_space<hbm>> -> memref<1x512xf32, #tpu.memory_space<hbm>>
      %dma_wait3A_1438 = tpu.memref_squeeze %dma_wait3A_1437 : memref<1x512xf32, #tpu.memory_space<hbm>> -> memref<512xf32, #tpu.memory_space<hbm>>
      %dma_wait3A_1439 = arith.constant 0 : i32
      %dma_wait3A_1440 = tpu.memref_slice %arg3[%add3A, %dma_wait3A_1439] : memref<32x512xf32, #tpu.memory_space<hbm>> -> memref<1x512xf32, #tpu.memory_space<hbm>>
      %dma_wait3A_1441 = tpu.memref_squeeze %dma_wait3A_1440 : memref<1x512xf32, #tpu.memory_space<hbm>> -> memref<512xf32, #tpu.memory_space<hbm>>
      tpu.wait_dma2 semaphore(%run_scoped3A : memref<!tpu.dma_semaphore, #tpu.memory_space<semaphore_mem>>) src(%arg5 : memref<512xf32, #tpu.memory_space<vmem>>) dst(%dma_wait3A_1441 : memref<512xf32, #tpu.memory_space<hbm>>)
      tpu.yield
    }) : () -> ()
    return
  }
}

module attributes {stable_mosaic.version = 14 : i64} {
  func.func @_fused(%arg0: i32, %arg1: memref<2048x512xf32, #tpu.memory_space<vmem>>, %arg2: memref<32x512xf32, #tpu.memory_space<vmem>>, %arg3: memref<512x1024xf32, #tpu.memory_space<vmem>>, %arg4: memref<1x1024xf32, #tpu.memory_space<vmem>>, %arg5: memref<1024x32xf32, #tpu.memory_space<vmem>>, %arg6: memref<1x32xf32, #tpu.memory_space<vmem>>, %arg7: memref<512x1024xf32, #tpu.memory_space<vmem>>, %arg8: memref<1x1024xf32, #tpu.memory_space<vmem>>, %arg9: memref<1024x4xf32, #tpu.memory_space<vmem>>, %arg10: memref<1x4xf32, #tpu.memory_space<vmem>>, %arg11: memref<2048x1xf32, #tpu.memory_space<vmem>>) attributes {dimension_semantics = [#tpu.dimension_semantics<arbitrary>], iteration_bounds = array<i64: 8>, scalar_prefetch = 0 : i64, scratch_operands = 0 : i64, tpu.core_type = #tpu.core_type<tc>, window_params = [{transform_indices = @transform_0, window_bounds = array<i64: 2048, 512>}, {pipeline_mode = #tpu.pipeline_mode<synchronous>, transform_indices = @transform_1, window_bounds = array<i64: 32, 512>}, {pipeline_mode = #tpu.pipeline_mode<synchronous>, transform_indices = @transform_2, window_bounds = array<i64: 512, 1024>}, {pipeline_mode = #tpu.pipeline_mode<synchronous>, transform_indices = @transform_3, window_bounds = array<i64: 1, 1024>}, {pipeline_mode = #tpu.pipeline_mode<synchronous>, transform_indices = @transform_4, window_bounds = array<i64: 1024, 32>}, {pipeline_mode = #tpu.pipeline_mode<synchronous>, transform_indices = @transform_5, window_bounds = array<i64: 1, 32>}, {pipeline_mode = #tpu.pipeline_mode<synchronous>, transform_indices = @transform_6, window_bounds = array<i64: 512, 1024>}, {pipeline_mode = #tpu.pipeline_mode<synchronous>, transform_indices = @transform_7, window_bounds = array<i64: 1, 1024>}, {pipeline_mode = #tpu.pipeline_mode<synchronous>, transform_indices = @transform_8, window_bounds = array<i64: 1024, 4>}, {pipeline_mode = #tpu.pipeline_mode<synchronous>, transform_indices = @transform_9, window_bounds = array<i64: 1, 4>}, {transform_indices = @transform_10, window_bounds = array<i64: 2048, 1>}]} {
    %get3A = arith.constant 0 : index
    %get3A_0 = arith.constant 0 : index
    %get3A_1 = vector.load %arg1[%get3A, %get3A_0] : memref<2048x512xf32, #tpu.memory_space<vmem>>, vector<2048x512xf32>
    %convert_element_type3A = arith.truncf %get3A_1 : vector<2048x512xf32> to vector<2048x512xbf16>
    %get3A_2 = arith.constant 0 : index
    %get3A_3 = arith.constant 0 : index
    %get3A_4 = vector.load %arg3[%get3A_2, %get3A_3] : memref<512x1024xf32, #tpu.memory_space<vmem>>, vector<512x1024xf32>
    %convert_element_type3A_5 = arith.truncf %get3A_4 : vector<512x1024xf32> to vector<512x1024xbf16>
    %dot_general3A = arith.constant dense<0.000000e+00> : vector<2048x1024xf32>
    %dot_general3A_6 = tpu.matmul %convert_element_type3A, %convert_element_type3A_5, %dot_general3A {dimension_numbers = #tpu.dot_dimension_numbers<[1], [0], [0], [1], [0, 0, 1, 1], [], []>, transpose_lhs_hint = false} : vector<2048x512xbf16>, vector<512x1024xbf16>, vector<2048x1024xf32> -> vector<2048x1024xf32>
    %get3A_7 = arith.constant 0 : index
    %get3A_8 = arith.constant 0 : index
    %get3A_9 = vector.load %arg4[%get3A_7, %get3A_8] : memref<1x1024xf32, #tpu.memory_space<vmem>>, vector<1x1024xf32>
    %add3A = vector.broadcast %get3A_9 : vector<1x1024xf32> to vector<2048x1024xf32>
    %add3A_10 = arith.addf %dot_general3A_6, %add3A : vector<2048x1024xf32>
    %convert_element_type3A_11 = arith.truncf %add3A_10 : vector<2048x1024xf32> to vector<2048x1024xbf16>
    %tanh3A = math.tanh %convert_element_type3A_11 : vector<2048x1024xbf16>
    %get3A_12 = arith.constant 0 : index
    %get3A_13 = arith.constant 0 : index
    %get3A_14 = vector.load %arg5[%get3A_12, %get3A_13] : memref<1024x32xf32, #tpu.memory_space<vmem>>, vector<1024x32xf32>
    %convert_element_type3A_15 = arith.truncf %get3A_14 : vector<1024x32xf32> to vector<1024x32xbf16>
    %dot_general3A_16 = arith.constant dense<0.000000e+00> : vector<2048x32xf32>
    %dot_general3A_17 = tpu.matmul %tanh3A, %convert_element_type3A_15, %dot_general3A_16 {dimension_numbers = #tpu.dot_dimension_numbers<[1], [0], [0], [1], [0, 0, 1, 1], [], []>, transpose_lhs_hint = false} : vector<2048x1024xbf16>, vector<1024x32xbf16>, vector<2048x32xf32> -> vector<2048x32xf32>
    %get3A_18 = arith.constant 0 : index
    %get3A_19 = arith.constant 0 : index
    %get3A_20 = vector.load %arg6[%get3A_18, %get3A_19] : memref<1x32xf32, #tpu.memory_space<vmem>>, vector<1x32xf32>
    %add3A_21 = vector.broadcast %get3A_20 : vector<1x32xf32> to vector<2048x32xf32>
    %add3A_22 = arith.addf %dot_general3A_17, %add3A_21 : vector<2048x32xf32>
    %reduce_max3A = arith.constant dense<0xFF800000> : vector<2048xf32>
    %reduce_max3A_23 = vector.multi_reduction <maximumf>, %add3A_22, %reduce_max3A [1] : vector<2048x32xf32> to vector<2048xf32>
    %broadcast_in_dim3A = vector.shape_cast %reduce_max3A_23 : vector<2048xf32> to vector<2048x1xf32>
    %sub3A = vector.broadcast %broadcast_in_dim3A : vector<2048x1xf32> to vector<2048x32xf32>
    %sub3A_24 = arith.subf %add3A_22, %sub3A : vector<2048x32xf32>
    %exp3A = math.exp %sub3A_24 : vector<2048x32xf32>
    %reduce_sum3A = arith.constant dense<0.000000e+00> : vector<2048xf32>
    %reduce_sum3A_25 = vector.multi_reduction <add>, %exp3A, %reduce_sum3A [1] : vector<2048x32xf32> to vector<2048xf32>
    %broadcast_in_dim3A_26 = vector.shape_cast %reduce_sum3A_25 : vector<2048xf32> to vector<2048x1xf32>
    %div3A = vector.broadcast %broadcast_in_dim3A_26 : vector<2048x1xf32> to vector<2048x32xf32>
    %div3A_27 = arith.divf %exp3A, %div3A : vector<2048x32xf32>
    %slice3A = vector.extract_strided_slice %get3A_1 {offsets = [0, 4], sizes = [2048, 4], strides = [1, 1]} : vector<2048x512xf32> to vector<2048x4xf32>
    %slice3A_28 = vector.extract_strided_slice %get3A_1 {offsets = [0, 0], sizes = [2048, 4], strides = [1, 1]} : vector<2048x512xf32> to vector<2048x4xf32>
    %reduce_max3A_29 = arith.constant dense<0xFF800000> : vector<2048xf32>
    %reduce_max3A_30 = vector.multi_reduction <maximumf>, %slice3A_28, %reduce_max3A_29 [1] : vector<2048x4xf32> to vector<2048xf32>
    %broadcast_in_dim3A_31 = vector.shape_cast %reduce_max3A_30 : vector<2048xf32> to vector<2048x1xf32>
    %argmax3A = tpu.reduce_index %slice3A {axis = 1 : i32, kind = #tpu.reduction_kind<arg_max>} : vector<2048x4xf32> -> vector<2048xi32>
    %broadcast_in_dim3A_32 = vector.shape_cast %argmax3A : vector<2048xi32> to vector<2048x1xi32>
    %iota3A = tpu.iota {dimensions = array<i32: 1>} : vector<2048x512xi32>
    %eq3A = vector.broadcast %broadcast_in_dim3A_32 : vector<2048x1xi32> to vector<2048x512xi32>
    %eq3A_33 = arith.cmpi eq, %iota3A, %eq3A : vector<2048x512xi32>
    %jit3A = arith.constant 0.000000e+00 : bf16
    %broadcast_in_dim3A_34 = vector.broadcast %jit3A : bf16 to vector<2048x512xbf16>
    %select_n3A = arith.select %eq3A_33, %broadcast_in_dim3A_34, %convert_element_type3A : vector<2048x512xi1>, vector<2048x512xbf16>
    %convert_element_type3A_35 = arith.truncf %div3A_27 : vector<2048x32xf32> to vector<2048x32xbf16>
    %get3A_36 = arith.constant 0 : index
    %get3A_37 = arith.constant 0 : index
    %get3A_38 = vector.load %arg2[%get3A_36, %get3A_37] : memref<32x512xf32, #tpu.memory_space<vmem>>, vector<32x512xf32>
    %convert_element_type3A_39 = arith.truncf %get3A_38 : vector<32x512xf32> to vector<32x512xbf16>
    %dot_general3A_40 = arith.constant dense<0.000000e+00> : vector<2048x512xf32>
    %dot_general3A_41 = tpu.matmul %convert_element_type3A_35, %convert_element_type3A_39, %dot_general3A_40 {dimension_numbers = #tpu.dot_dimension_numbers<[1], [0], [0], [1], [0, 0, 1, 1], [], []>, transpose_lhs_hint = false} : vector<2048x32xbf16>, vector<32x512xbf16>, vector<2048x512xf32> -> vector<2048x512xf32>
    %convert_element_type3A_42 = arith.truncf %dot_general3A_41 : vector<2048x512xf32> to vector<2048x512xbf16>
    %iota3A_43 = tpu.iota {dimensions = array<i32: 1>} : vector<4x512xi32>
    %jit3A_44 = arith.constant 4 : i32
    %eq3A_45 = arith.constant 0 : i32
    %eq3A_46 = arith.cmpi eq, %jit3A_44, %eq3A_45 : i32
    %jit3A_47 = arith.constant 1 : i32
    %select_n3A_48 = arith.select %eq3A_46, %jit3A_47, %jit3A_44 : i32
    %rem3A = vector.broadcast %select_n3A_48 : i32 to vector<4x512xi32>
    %rem3A_49 = arith.remsi %iota3A_43, %rem3A : vector<4x512xi32>
    %ne3A = arith.constant 0 : i32
    %ne3A_50 = vector.broadcast %ne3A : i32 to vector<4x512xi32>
    %ne3A_51 = arith.cmpi ne, %rem3A_49, %ne3A_50 : vector<4x512xi32>
    %lt3A = arith.constant 0 : i32
    %lt3A_52 = vector.broadcast %lt3A : i32 to vector<4x512xi32>
    %lt3A_53 = arith.cmpi slt, %rem3A_49, %lt3A_52 : vector<4x512xi32>
    %lt3A_54 = arith.constant 0 : i32
    %lt3A_55 = arith.cmpi slt, %select_n3A_48, %lt3A_54 : i32
    %ne3A_56 = vector.broadcast %lt3A_55 : i1 to vector<4x512xi1>
    %ne3A_57 = vector.broadcast %ne3A_56 : vector<4x512xi1> to vector<4x512xi1>
    %ne3A_58 = arith.xori %lt3A_53, %ne3A_57 : vector<4x512xi1>
    %and3A = arith.andi %ne3A_58, %ne3A_51 : vector<4x512xi1>
    %add3A_59 = vector.broadcast %select_n3A_48 : i32 to vector<4x512xi32>
    %add3A_60 = arith.addi %rem3A_49, %add3A_59 : vector<4x512xi32>
    %select_n3A_61 = arith.select %and3A, %add3A_60, %rem3A_49 : vector<4x512xi1>, vector<4x512xi32>
    %iota3A_62 = tpu.iota {dimensions = array<i32: 0>} : vector<4x512xi32>
    %eq3A_63 = arith.cmpi eq, %select_n3A_61, %iota3A_62 : vector<4x512xi32>
    %convert_element_type3A_64 = arith.extui %eq3A_63 : vector<4x512xi1> to vector<4x512xi32>
    %convert_element_type3A_65 = arith.sitofp %convert_element_type3A_64 : vector<4x512xi32> to vector<4x512xf32>
    %convert_element_type3A_66 = arith.truncf %convert_element_type3A_65 : vector<4x512xf32> to vector<4x512xbf16>
    %mul3A = vector.broadcast %broadcast_in_dim3A_31 : vector<2048x1xf32> to vector<2048x4xf32>
    %mul3A_67 = arith.mulf %mul3A, %slice3A : vector<2048x4xf32>
    %convert_element_type3A_68 = arith.truncf %mul3A_67 : vector<2048x4xf32> to vector<2048x4xbf16>
    %dot_general3A_69 = arith.constant dense<0.000000e+00> : vector<2048x512xf32>
    %dot_general3A_70 = tpu.matmul %convert_element_type3A_68, %convert_element_type3A_66, %dot_general3A_69 {dimension_numbers = #tpu.dot_dimension_numbers<[1], [0], [0], [1], [0, 0, 1, 1], [], []>, transpose_lhs_hint = false} : vector<2048x4xbf16>, vector<4x512xbf16>, vector<2048x512xf32> -> vector<2048x512xf32>
    %convert_element_type3A_71 = arith.truncf %dot_general3A_70 : vector<2048x512xf32> to vector<2048x512xbf16>
    %mul3A_72 = arith.mulf %convert_element_type3A_42, %convert_element_type3A_71 : vector<2048x512xbf16>
    %add3A_73 = arith.addf %select_n3A, %mul3A_72 : vector<2048x512xbf16>
    %get3A_74 = arith.constant 0 : index
    %get3A_75 = arith.constant 0 : index
    %get3A_76 = vector.load %arg7[%get3A_74, %get3A_75] : memref<512x1024xf32, #tpu.memory_space<vmem>>, vector<512x1024xf32>
    %convert_element_type3A_77 = arith.truncf %get3A_76 : vector<512x1024xf32> to vector<512x1024xbf16>
    %dot_general3A_78 = arith.constant dense<0.000000e+00> : vector<2048x1024xf32>
    %dot_general3A_79 = tpu.matmul %add3A_73, %convert_element_type3A_77, %dot_general3A_78 {dimension_numbers = #tpu.dot_dimension_numbers<[1], [0], [0], [1], [0, 0, 1, 1], [], []>, transpose_lhs_hint = false} : vector<2048x512xbf16>, vector<512x1024xbf16>, vector<2048x1024xf32> -> vector<2048x1024xf32>
    %get3A_80 = arith.constant 0 : index
    %get3A_81 = arith.constant 0 : index
    %get3A_82 = vector.load %arg8[%get3A_80, %get3A_81] : memref<1x1024xf32, #tpu.memory_space<vmem>>, vector<1x1024xf32>
    %add3A_83 = vector.broadcast %get3A_82 : vector<1x1024xf32> to vector<2048x1024xf32>
    %add3A_84 = arith.addf %dot_general3A_79, %add3A_83 : vector<2048x1024xf32>
    %convert_element_type3A_85 = arith.truncf %add3A_84 : vector<2048x1024xf32> to vector<2048x1024xbf16>
    %tanh3A_86 = math.tanh %convert_element_type3A_85 : vector<2048x1024xbf16>
    %get3A_87 = arith.constant 0 : index
    %get3A_88 = arith.constant 0 : index
    %get3A_89 = vector.load %arg9[%get3A_87, %get3A_88] : memref<1024x4xf32, #tpu.memory_space<vmem>>, vector<1024x4xf32>
    %convert_element_type3A_90 = arith.truncf %get3A_89 : vector<1024x4xf32> to vector<1024x4xbf16>
    %dot_general3A_91 = arith.constant dense<0.000000e+00> : vector<2048x4xf32>
    %dot_general3A_92 = tpu.matmul %tanh3A_86, %convert_element_type3A_90, %dot_general3A_91 {dimension_numbers = #tpu.dot_dimension_numbers<[1], [0], [0], [1], [0, 0, 1, 1], [], []>, transpose_lhs_hint = false} : vector<2048x1024xbf16>, vector<1024x4xbf16>, vector<2048x4xf32> -> vector<2048x4xf32>
    %get3A_93 = arith.constant 0 : index
    %get3A_94 = arith.constant 0 : index
    %get3A_95 = vector.load %arg10[%get3A_93, %get3A_94] : memref<1x4xf32, #tpu.memory_space<vmem>>, vector<1x4xf32>
    %add3A_96 = vector.broadcast %get3A_95 : vector<1x4xf32> to vector<2048x4xf32>
    %add3A_97 = arith.addf %dot_general3A_92, %add3A_96 : vector<2048x4xf32>
    %mul3A_98 = arith.mulf %add3A_97, %slice3A : vector<2048x4xf32>
    %reduce_sum3A_99 = arith.constant dense<0.000000e+00> : vector<2048xf32>
    %reduce_sum3A_100 = vector.multi_reduction <add>, %mul3A_98, %reduce_sum3A_99 [1] : vector<2048x4xf32> to vector<2048xf32>
    %broadcast_in_dim3A_101 = vector.shape_cast %reduce_sum3A_100 : vector<2048xf32> to vector<2048x1xf32>
    %swap3A = arith.constant 0 : index
    %swap3A_102 = arith.constant 0 : index
    %swap3A_103 = vector.load %arg11[%swap3A, %swap3A_102] : memref<2048x1xf32, #tpu.memory_space<vmem>>, vector<2048x1xf32>
    tpu.vector_store %arg11[%swap3A, %swap3A_102], %broadcast_in_dim3A_101 {strides = array<i32>} : memref<2048x1xf32, #tpu.memory_space<vmem>>, vector<2048x1xf32>,
    return
  }
  func.func @transform_0(%arg0: i32) -> (i32, i32) {
    %c0_i32 = arith.constant 0 : i32
    %c0_i32_0 = arith.constant 0 : i32
    return %arg0, %c0_i32 : i32, i32
  }
  func.func @transform_1(%arg0: i32) -> (i32, i32) {
    %c0_i32 = arith.constant 0 : i32
    %c0_i32_0 = arith.constant 0 : i32
    %c0_i32_1 = arith.constant 0 : i32
    return %c0_i32, %c0_i32_0 : i32, i32
  }
  func.func @transform_2(%arg0: i32) -> (i32, i32) {
    %c0_i32 = arith.constant 0 : i32
    %c0_i32_0 = arith.constant 0 : i32
    %c0_i32_1 = arith.constant 0 : i32
    return %c0_i32, %c0_i32_0 : i32, i32
  }
  func.func @transform_3(%arg0: i32) -> (i32, i32) {
    %c0_i32 = arith.constant 0 : i32
    %c0_i32_0 = arith.constant 0 : i32
    %c0_i32_1 = arith.constant 0 : i32
    return %c0_i32, %c0_i32_0 : i32, i32
  }
  func.func @transform_4(%arg0: i32) -> (i32, i32) {
    %c0_i32 = arith.constant 0 : i32
    %c0_i32_0 = arith.constant 0 : i32
    %c0_i32_1 = arith.constant 0 : i32
    return %c0_i32, %c0_i32_0 : i32, i32
  }
  func.func @transform_5(%arg0: i32) -> (i32, i32) {
    %c0_i32 = arith.constant 0 : i32
    %c0_i32_0 = arith.constant 0 : i32
    %c0_i32_1 = arith.constant 0 : i32
    return %c0_i32, %c0_i32_0 : i32, i32
  }
  func.func @transform_6(%arg0: i32) -> (i32, i32) {
    %c0_i32 = arith.constant 0 : i32
    %c0_i32_0 = arith.constant 0 : i32
    %c0_i32_1 = arith.constant 0 : i32
    return %c0_i32, %c0_i32_0 : i32, i32
  }
  func.func @transform_7(%arg0: i32) -> (i32, i32) {
    %c0_i32 = arith.constant 0 : i32
    %c0_i32_0 = arith.constant 0 : i32
    %c0_i32_1 = arith.constant 0 : i32
    return %c0_i32, %c0_i32_0 : i32, i32
  }
  func.func @transform_8(%arg0: i32) -> (i32, i32) {
    %c0_i32 = arith.constant 0 : i32
    %c0_i32_0 = arith.constant 0 : i32
    %c0_i32_1 = arith.constant 0 : i32
    return %c0_i32, %c0_i32_0 : i32, i32
  }
  func.func @transform_9(%arg0: i32) -> (i32, i32) {
    %c0_i32 = arith.constant 0 : i32
    %c0_i32_0 = arith.constant 0 : i32
    %c0_i32_1 = arith.constant 0 : i32
    return %c0_i32, %c0_i32_0 : i32, i32
  }
  func.func @transform_10(%arg0: i32) -> (i32, i32) {
    %c0_i32 = arith.constant 0 : i32
    %c0_i32_0 = arith.constant 0 : i32
    return %arg0, %c0_i32 : i32, i32
  }
}

</mosaic_0001>

<sc_bundles>
// kernel: kernel.4.cloned.1.call-start
scs
__scs_entry_jumppad:
0x0: {  	(pc) =	sbr.rel $0x88, $3  }
0x1: {  	(tag) =	ssettag $0x0;
	lr =	simm.s32 $0x1  }
0x2: {  	[smem:$0x3F96] =	sst lr;
	_ =	strace $0xD0000000  }
0x3: {  	_ = 	snop  }
0x4: {  	_ = 	snop  }
0x5: {  	_ = 	snop  }
0x6: {  	_ = 	snop  }
0x7: {  	_ = 	snop  }
__scs_overlays_trampoline_lowered:
0x8: {  	[smem:$0x3FA5] =	sst s0  }
0x9: {  	[smem:$0x3FA6] =	sst s1  }
0xa: {  	[smem:$0x3FA7] =	sst s2  }
0xb: {  	[smem:$0x3FA8] =	sst s3  }
0xc: {  	[smem:$0x3FA9] =	sst s4  }
0xd: {  	[smem:$0x3FAA] =	sst s5  }
0xe: {  	[smem:$0x3FAB] =	sst s6  }
0xf: {  	[smem:$0x3FAC] =	sst s7  }
0x10: {  	[smem:$0x3FAD] =	sst s8  }
0x11: {  	[smem:$0x3FAE] =	sst s9;
	s0 =	simm.s32 @!p0 $0x0  }
0x12: {  	s1 =	sld [smem:$0x3F94];
	s0 =	simm.s32 @p0 $0x1  }
0x13: {  	[smem:$0x3FAF] =	sst s0;
	s0 =	simm.s32 @!p1 $0x0  }
0x14: {  	s2 =	sld [smem:$0x3F93];
	s0 =	simm.s32 @p1 $0x1  }
0x15: {  	[smem:$0x3FB0] =	sst s0;
	s0 =	simm.s32 @!p2 $0x0  }
0x16: {  	s3 =	sld [smem:$0x3FDB];
	s0 =	simm.s32 @p2 $0x1  }
0x17: {  	s4 =	simm.s32 $0x1BF5;
	[smem:$0x3FB2] =	sst s0  }
0x18: {  	s0 =	sld [smem:$0x3F95];
	_ =	swait.ge [sflag:s4], $0x0  }
0x19: {  	s7 =	sld [smem:$0x3F96]  }
0x1a: {  	s8 =	sadd.s32 $0xFFFFE003, lr  }
0x1b: {  	s9 =	sadd.s32 $0xFFFFFEF7, lr;
	s5 =	simm.s32 $0xFFFFFFFF;
	p2 =	slt.u32 s8, $0xFFFFF086  }
0x1c: {  	p1 =	slt.u32 s9, $0xF7A;
	s5 =	simm.s32 @!p2 $0x0  }
0x1d: {  	s5 =	simm.s32 @p1 $0x1;
	p0 =	seq.s32 s7, s2  }
0x1e: {  	s7 =	smul.u32 @!p0 $0xF7A, s2;
	p2 =	seq.s32 @!p0 s5, $0x0  }
0x1f: {  	s9 =	smul.u32 $0xF7A, s1;
	s8 =	simm.s32 @!p0 $0x1BF5;
	p2 =	por !p2, p0  }
0x20: {  	[sflag:s8] =	ssyncset.s32 @!p0 $0xFFFFF086;
	s6 =	sadd.s32 @!p0 s3, s7;
	s7 =	simm.s32 @!p0 $0x108  }
0x21: {  	s3 =	sadd.s32 s3, s9;
	s6 =	sadd.s32 @!p0 $0x88, s6;
	s7 =	simm.s32 @p2 $0x1082  }
0x22: {  	[simem:s7], [sflag:s8] =	dma.local @!p0 [hbm:s6], $0xF7A  }
0x23: {  	s9 =	sor.u32 $0xD0000000, s2;
	s6 =	simm.s32 $0x108;
	_ =	swait.ge @!p0 [sflag:s8], $0x0  }
0x24: {  	s3 =	sadd.s32 $0x88, s3;
	s6 =	simm.s32 @!p1 $0x1082;
	[sflag:s4] =	ssyncset.s32 $0xFFFFF086  }
0x25: {  	[simem:s6], [sflag:s4] =	dma.local [hbm:s3], $0xF7A  }
0x26: {  	[smem:$0x3F96] =	sst s1;
	(tag) =	ssettag s2;
	_ =	strace s9  }
0x27: {  	s1 =	sld [smem:$0x3FA6]  }
0x28: {  	s2 =	sld [smem:$0x3FA7]  }
0x29: {  	s4 =	sld [smem:$0x3FA9]  }
0x2a: {  	p0 =	seq.s32 s5, $0x0;
	s5 =	sld [smem:$0x3FAA]  }
0x2b: {  	s6 =	sld [smem:$0x3FAB]  }
0x2c: {  	s7 =	sld [smem:$0x3FAC]  }
0x2d: {  	s3 =	simm.s32 $0x108;
	s8 =	sld [smem:$0x3FAD]  }
0x2e: {  	s3 =	simm.s32 @!p0 $0x1082;
	s9 =	sld [smem:$0x3FAE]  }
0x2f: {  	lr =	sadd.s32 s0, s3;
	s0 =	sld [smem:$0x3FA5]  }
0x30: {  	s3 =	sld [smem:$0x3FA8]  }
0x31: {  	[smem:$0x3FB1] =	sst s10  }
0x32: {  	s10 =	sld [smem:$0x3FAF];
	_ =	sdelay $0x3  }
0x33: {  	p0 =	seq.s32 s10, $0x1;
	s10 =	sld [smem:$0x3FB1];
	_ =	sdelay $0x3  }
0x34: {  	[smem:$0x3FB1] =	sst s10  }
0x35: {  	s10 =	sld [smem:$0x3FB0];
	_ =	sdelay $0x3  }
0x36: {  	p1 =	seq.s32 s10, $0x1;
	s10 =	sld [smem:$0x3FB1];
	_ =	sdelay $0x3  }
0x37: {  	[smem:$0x3FB1] =	sst s10  }
0x38: {  	s10 =	sld [smem:$0x3FB2]  }
0x39: {  	_ = 	snop;
	(pc) =	sbr.ind lr, $3  }
0x3a: {  	_ = 	snop  }
0x3b: {  	_ = 	snop  }
0x3c: {  	p2 =	seq.s32 s10, $0x1;
	s10 =	sld [smem:$0x3FB1]  }
0x3d: {  	_ =	shalt  }
0x3e: {  	_ =	shalt  }
0x3f: {  	_ =	shalt  }
0x40: {  	_ =	shalt  }
0x41: {  	_ =	shalt  }
0x42: {  	_ =	shalt  }
0x43: {  	_ =	shalt  }
0x44: {  	_ =	shalt  }
0x45: {  	_ =	shalt  }
0x46: {  	_ =	shalt  }
0x47: {  	_ =	shalt  }
0x48: {  	_ =	shalt  }
0x49: {  	_ =	shalt  }
0x4a: {  	_ =	shalt  }
0x4b: {  	_ =	shalt  }
0x4c: {  	_ =	shalt  }
0x4d: {  	_ =	shalt  }
0x4e: {  	_ =	shalt  }
0x4f: {  	_ =	shalt  }
0x50: {  	_ =	shalt  }
0x51: {  	_ =	shalt  }
0x52: {  	_ =	shalt  }
0x53: {  	_ =	shalt  }
0x54: {  	_ =	shalt  }
0x55: {  	_ =	shalt  }
0x56: {  	_ =	shalt  }
0x57: {  	_ =	shalt  }
0x58: {  	_ =	shalt  }
0x59: {  	_ =	shalt  }
0x5a: {  	_ =	shalt  }
0x5b: {  	_ =	shalt  }
0x5c: {  	_ =	shalt  }
0x5d: {  	_ =	shalt  }
0x5e: {  	_ =	shalt  }
0x5f: {  	_ =	shalt  }
0x60: {  	_ =	shalt  }
0x61: {  	_ =	shalt  }
0x62: {  	_ =	shalt  }
0x63: {  	_ =	shalt  }
0x64: {  	_ =	shalt  }
0x65: {  	_ =	shalt  }
0x66: {  	_ =	shalt  }
0x67: {  	_ =	shalt  }
0x68: {  	_ =	shalt  }
0x69: {  	_ =	shalt  }
0x6a: {  	_ =	shalt  }
0x6b: {  	_ =	shalt  }
0x6c: {  	_ =	shalt  }
0x6d: {  	_ =	shalt  }
0x6e: {  	_ =	shalt  }
0x6f: {  	_ =	shalt  }
0x70: {  	_ =	shalt  }
0x71: {  	_ =	shalt  }
0x72: {  	_ =	shalt  }
0x73: {  	_ =	shalt  }
0x74: {  	_ =	shalt  }
0x75: {  	_ =	shalt  }
0x76: {  	_ =	shalt  }
0x77: {  	_ =	shalt  }
0x78: {  	_ =	shalt  }
0x79: {  	_ =	shalt  }
0x7a: {  	_ =	shalt  }
0x7b: {  	_ =	shalt  }
0x7c: {  	_ =	shalt  }
0x7d: {  	_ =	shalt  }
0x7e: {  	_ =	shalt  }
0x7f: {  	_ =	shalt  }
0x80: {  	_ =	shalt  }
0x81: {  	_ =	shalt  }
0x82: {  	_ =	shalt  }
0x83: {  	_ =	shalt  }
0x84: {  	_ =	shalt  }
0x85: {  	_ =	shalt  }
0x86: {  	_ =	shalt  }
0x87: {  	_ =	shalt  }
.Lfunc_end0:
.L_simem_size_0:
called_computation_lowered:
.L_overlay_start_0:
0x88: {  	s2 =	sld [smem:$0x3FD9]  }
0x89: {  	s3 =	sld [smem:$0x3FFE];
	_ =	sdelay $0x1  }
0x8a: {  	s1 =	srdreg.scid  }
0x8b: {  	s0 =	sand.u32 $0x1, s1  }
0x8c: {  	s17 =	sshll.u32 s0, $0xA;
	s2 =	sadd.s32 s3, s2  }
0x8d: {  	s2 =	sadd.s32 s2, s17  }
0x8e: {  	[smem:$0x3FBD] =	sst s2  }
0x8f: {  	_ = 	snop  }
0x90: {  	s2 =	sld [smem:$0x3FD0];
	(tm) =	ssettm $0x1  }
0x91: {  	s18 =	sld [smem:$0x3FFB];
	_ =	sdelay $0x3  }
0x92: {  	_ =	strace s18  }
0x93: {  	s3 =	sld [smem:$0x3FFC];
	_ =	sdelay $0x3  }
0x94: {  	_ =	strace s3  }
0x95: {  	s3 =	sld [smem:$0x3FFD];
	_ =	sdelay $0x3  }
0x96: {  	_ =	strace s3  }
0x97: {  	_ =	strace $0x8FFFFFFF  }
0x98: {  	s19 =	sld [smem:$0x3FDB];
	_ =	sdelay $0x1  }
0x99: {  	s4 =	simm.s32 $_scs_section_size  }
0x9a: {  	s5 =	simm.s32 $_size__tile_overlayer_lowered;
	s6 =	simm.s32 $_tile_overlayer_lowered  }
0x9b: {  	s22 =	simm.s32 $0x1BFF;
	s21 =	sshll.u32 s6, $0x1;
	s3 =	sadd.s32 s4, s19  }
0x9c: {  	s7 =	simm.s32 $0x0;
	s20 =	sshll.u32 s5, $0x1;
	s5 =	sadd.s32 s21, s3  }
0x9d: {  	[timem:s7], [sflag:s22] =	dma.local [hbm:s5], s20  }
0x9e: {  	_ =	swait.ge [sflag:s22], s20  }
0x9f: {  	s4 =	ssub.s32 $0x0, s20;
	[sflag:s22] =	ssyncset.done $0x0  }
0xa0: {  	[sflag:s22] =	ssyncadd.s32 s4;
	_ =	sdelay $0x1  }
0xa1: {  	s23 =	simm.s32 $0x1B8B  }
0xa2: {  	_ =	swait.ge [sflag:s23], $0x1  }
0xa3: {  	[sflag:s23] =	ssyncset.done $0x0  }
0xa4: {  	s25 =	simm.s32 $0x1B8E;
	s24 =	sld [smem:$0x3FFE];
	[sflag:s23] =	ssyncadd.s32 $0xFFFFFFFF  }
0xa5: {  	s26 =	simm.s32 $execute0_lowered;
	[smem:$0x3FD2] =	sst s25  }
0xa6: {  	s5 =	sshll.u32 s26, $0x1;
	_ =	strace $0x80000046;
	[dreg:$0x1] =	wrdreg $0xFFFFFFFF  }
0xa7: {  	s28 =	simm.s32 $_size_execute0_lowered;
	s3 =	sadd.s32 s3, s5;
	[dreg:$0x0] =	wrdreg $0x0  }
0xa8: {  	s5 =	sshll.u32 s28, $0x1;
	[dreg:$0x2] =	wrdreg s3  }
0xa9: {  	[dreg:$0x3] =	wrdreg s5  }
0xaa: {  	[dreg:$0x4] =	wrdreg $0xC0  }
0xab: {  	_ =	task [dreg:s7], $0x5FFFF  }
0xac: {  	[dreg:$0x1] =	wrdreg $0xFFFFFFFF  }
0xad: {  	[dreg:$0x0] =	wrdreg $0x60  }
0xae: {  	[dreg:$0x2] =	wrdreg s24  }
0xaf: {  	[dreg:$0x3] =	wrdreg s2  }
0xb0: {  	[dreg:$0x4] =	wrdreg $0x9  }
0xb1: {  	_ =	task.clear_ibuf [dreg:s7], $0x5FFFF;
	_ =	strace $0x90000046  }
0xb2: {  	s29 =	simm.s32 $0x9;
	_ =	strace $0x80000048  }
0xb3: {  	_ =	swait.ge [sflag:s29], $0x1  }
0xb4: {  	[sflag:s29] =	ssyncadd.s32 $0xFFFFFFFF  }
0xb5: {  	_ =	strace $0x90000048  }
0xb6: {  	_ =	sfence  }
0xb7: {  	s30 =	sld [smem:$0x0];
	_ =	sdelay $0x2  }
0xb8: {  	s31 =	sshll.u32 s1, $0xD;
	s1 =	sshrl.u32 s1, $0x2  }
0xb9: {  	s3 =	sand.u32 $0x4000, s31;
	s1 =	sadd.s32 s1, s30  }
0xba: {  	s0 =	sor.u32 s3, s0;
	s1 =	sshll.u32 s1, $0x11  }
0xbb: {  	s0 =	sor.u32 s1, s0  }
0xbc: {  	s0 =	sadd.s32 $0x8F2B, s0  }
0xbd: {  	[sflag:s0] =	ssyncadd.remote.s32 $0x1  }
0xbe: {  	_ =	sfence.sel $0xFFFF  }
0xbf: {  	[dreg:$0x0] =	wrdreg $0xFFFFFFFF;
	(pc) =	sbr.abs _section_cstart, $3  }
0xc0: {  	[dreg:$0x1] =	wrdreg $0xFFFFFFFF  }
0xc1: {  	_ =	task.clear_ibuf [dreg:s7], $0x2FFFF;
	_ =	strace $0x9FFFFFFF  }
0xc2: {  	(tm) =	ssettm $0x7FFFFFFF  }
0xc3: {  	_ =	shalt  }
tec
execute0_lowered:
.L_overlay_start_1:
0x0: {  	(tag) =	ssettag $0x1  }
0x1: {  	v1 =	vlaneseq.u32  }
0x2: {  	v0 =	vshrl.u32 v1, $0x2  }
0x3: {  	v3 =	vor.u32 $0x8, v0  }
0x4: {  	s1 =	srdreg.scid;
	s5 =	rddreg [dreg:$0x0];
	v4 =	vor.u32 $0xC, v0;
	v5 =	vor.u32 $0x10, v0;
	v6 =	vor.u32 $0x14, v0  }
0x5: {  	s0 =	stileid.u32;
	s6 =	rddreg [dreg:$0x1];
	s2 =	simm.s32 $0x0;
	v7 =	vor.u32 $0x18, v0;
	v8 =	vor.u32 $0x1C, v0;
	v9 =	vor.u32 $0x20, v0  }
0x6: {  	s9 =	simm.s32 $0x400;
	s10 =	simm.s32 $0x80;
	s3 =	sand.u32 $0x1, s1;
	v10 =	vor.u32 $0x24, v0;
	v11 =	vor.u32 $0x28, v0;
	v12 =	vor.u32 $0x2C, v0  }
0x7: {  	s28 =	sshll.u32 s0, $0x1;
	[smem:$0x7FF] =	sst s2;
	s30 =	sshll.u32 s0, $0x7;
	v13 =	vor.u32 $0x30, v0;
	v14 =	vor.u32 $0x34, v0;
	v15 =	vor.u32 $0x38, v0  }
0x8: {  	s31 =	sshrl.u32 s0, $0x3;
	s4 =	sor.u32 s3, s28;
	s7 =	ssub.s32 $0x2, s3;
	v16 =	vor.u32 $0x3C, v0;
	v17 =	vor.u32 $0x40, v0;
	v18 =	vor.u32 $0x44, v0  }
0x9: {  	s3 =	sadd.s32 $0xE00, s5;
	v19 =	vor.u32 $0x48, v0;
	v20 =	vor.u32 $0x4C, v0;
	p0 =	seq.s32 s31, $0x1;
	v21 =	vor.u32 $0x50, v0;
	s1 =	sand.u32 $0xF, s4  }
0xa: {  	v22 =	vor.u32 $0x54, v0;
	v23 =	vor.u32 $0x58, v0;
	s8 =	sshrl.u32 s7, $0x1;
	s4 =	sshll.u32 s4, $0x4;
	v2 =	vmov s1;
	s1 =	rddreg [dreg:$0x2]  }
0xb: {  	v24 =	vor.u32 $0x5C, v0;
	v25 =	vor.u32 $0x60, v0;
	v26 =	vor.u32 $0x64, v0;
	_ =	strace $0x80000047;
	s29 =	ssub.s32 s7, s8;
	s7 =	sand.u32 $0x600, s30  }
0xc: {  	v27 =	vor.u32 $0x68, v0;
	v28 =	vor.u32 $0x6C, v0;
	v29 =	vor.u32 $0x70, v0;
	s4 =	sand.u32 $0x70, s4;
	s8 =	simm.s32 $0x30;
	s6 =	sadd.s32 s6, s7  }
0xd: {  	v30 =	vor.u32 $0x74, v0;
	v31 =	vor.u32 $0x78, v0;
	v32 =	vor.u32 $0x7C, v0;
	s5 =	smax.u32 s29, $0x1;
	s4 =	sadd.s32 s4, s6;
	s6 =	simm.s32 $0x10  }
0xe: {  	vm0 =	veq.s32 v2, v1;
	v1 =	vimm.s32 $0x0;
	v2 =	vor.u32 $0x4, v0;
	s7 =	simm.s32 $0x1;
	s8 =	simm.s32 @!p0 $0x20;
	s6 =	simm.s32 @!p0 $0x0  }
.LBB2_1:
0xf: {  	[tilespmem:s2], [sflag:$0x1] =	stream.linear.gather [hbm4b:s3+s2], $0x80, $0x38;
	[tilespmem:$0x280] =	vst v63  }
0x10: {  	_ =	swait.ge [sflag:s7], $0x80  }
0x11: {  	[sflag:s7] =	ssyncset.done $0x0  }
0x12: {  	[sflag:s7] =	ssyncadd.s32 $0xFFFFFF80  }
0x13: {  	v33 =	vld [tilespmem:s6+$0x0]  }
0x14: {  	v34 =	vld [tilespmem:s8+$0x0];
	_ =	sdelay $0x3  }
0x15: {  	v33 =	vnsel vm0, $0x0, v33  }
0x16: {  	v45 =	vnsel vm0, $0x0, v34;
	(xrf0) =	vadd.scan.msk.s32 $0xffff, v33  }
0x17: {  	(xrf0) =	vadd.scan.msk.s32 $0xffff, v45;
	_ =	sdelay $0x4  }
0x18: {  	v46, _, _ =	vpop (xrf0)  }
0x19: {  	v33 =	vbroadcast v46, $0xF;
	v47, _, _ =	vpop (xrf0)  }
0x1a: {  	v34 =	vbroadcast v47, $0xF  }
0x1b: {  	vm1 =	veq.s32 v33, v0  }
0x1c: {  	v35 =	vsel vm1, $0x3F800000, v1;
	vm1 =	veq.s32 v34, v0  }
0x1d: {  	vm2 =	veq.s32 v34, v2;
	v36 =	vsel vm1, $0x3F800000, v1;
	vm1 =	veq.s32 v33, v2  }
0x1e: {  	v37 =	vsel vm2, $0x3F800000, v1;
	vm2 =	veq.s32 v34, v3;
	v35 =	vadd.f32 v36, v35  }
0x1f: {  	v48 =	vsel vm1, $0x3F800000, v1;
	vm1 =	veq.s32 v33, v3;
	v38 =	vsel vm2, $0x3F800000, v1  }
0x20: {  	vm2 =	veq.s32 v34, v5;
	v36 =	vadd.f32 v37, v48;
	v49 =	vsel vm1, $0x3F800000, v1  }
0x21: {  	vm1 =	veq.s32 v33, v4;
	v40 =	vsel vm2, $0x3F800000, v1;
	vm2 =	veq.s32 v34, v6  }
0x22: {  	v37 =	vadd.f32 v38, v49;
	v50 =	vsel vm1, $0x3F800000, v1;
	vm1 =	veq.s32 v34, v4  }
0x23: {  	v41 =	vsel vm2, $0x3F800000, v1;
	vm2 =	veq.s32 v34, v8;
	v39 =	vsel vm1, $0x3F800000, v1  }
0x24: {  	vm1 =	veq.s32 v33, v5;
	v43 =	vsel vm2, $0x3F800000, v1;
	vm2 =	veq.s32 v34, v9  }
0x25: {  	v38 =	vadd.f32 v39, v50;
	v51 =	vsel vm1, $0x3F800000, v1;
	vm1 =	veq.s32 v33, v6  }
0x26: {  	v44 =	vsel vm2, $0x3F800000, v1;
	vm2 =	veq.s32 v34, v11;
	v39 =	vadd.f32 v40, v51  }
0x27: {  	v52 =	vsel vm1, $0x3F800000, v1;
	vm1 =	veq.s32 v33, v7;
	v46 =	vsel vm2, $0x3F800000, v1  }
0x28: {  	vm2 =	veq.s32 v34, v12;
	v40 =	vadd.f32 v41, v52;
	v53 =	vsel vm1, $0x3F800000, v1  }
0x29: {  	vm1 =	veq.s32 v34, v7;
	v47 =	vsel vm2, $0x3F800000, v1;
	vm2 =	veq.s32 v34, v14  }
0x2a: {  	v42 =	vsel vm1, $0x3F800000, v1;
	vm1 =	veq.s32 v33, v8;
	v49 =	vsel vm2, $0x3F800000, v1  }
0x2b: {  	vm2 =	veq.s32 v34, v15;
	v41 =	vadd.f32 v42, v53;
	v54 =	vsel vm1, $0x3F800000, v1  }
0x2c: {  	vm1 =	veq.s32 v33, v9;
	v62 =	vsel vm2, $0x3F800000, v1;
	vm2 =	veq.s32 v34, v17  }
0x2d: {  	v42 =	vadd.f32 v43, v54;
	v55 =	vsel vm1, $0x3F800000, v1;
	vm1 =	veq.s32 v33, v10  }
0x2e: {  	v51 =	vsel vm2, $0x3F800000, v1;
	vm2 =	veq.s32 v34, v18;
	v43 =	vadd.f32 v44, v55  }
0x2f: {  	v56 =	vsel vm1, $0x3F800000, v1;
	vm1 =	veq.s32 v34, v10;
	v53 =	vsel vm2, $0x3F800000, v1  }
0x30: {  	vm2 =	veq.s32 v34, v20;
	v45 =	vsel vm1, $0x3F800000, v1;
	vm1 =	veq.s32 v33, v11  }
0x31: {  	v44 =	vadd.f32 v45, v56;
	v57 =	vsel vm1, $0x3F800000, v1;
	vm1 =	veq.s32 v33, v12  }
0x32: {  	v45 =	vadd.f32 v46, v57;
	v58 =	vsel vm1, $0x3F800000, v1;
	vm1 =	veq.s32 v33, v13  }
0x33: {  	v57 =	vsel vm2, $0x3F800000, v1;
	v59 =	vsel vm1, $0x3F800000, v1;
	vm1 =	veq.s32 v34, v13  }
0x34: {  	[tilespmem:$0x80] =	vst v35;
	vm2 =	veq.s32 v34, v21;
	v48 =	vsel vm1, $0x3F800000, v1;
	vm1 =	veq.s32 v33, v14  }
0x35: {  	[tilespmem:$0x90] =	vst v36;
	v46 =	vadd.f32 v47, v58;
	v60 =	vsel vm1, $0x3F800000, v1;
	vm1 =	veq.s32 v33, v15  }
0x36: {  	[tilespmem:$0xA0] =	vst v37;
	v47 =	vadd.f32 v48, v59;
	v61 =	vsel vm1, $0x3F800000, v1;
	vm1 =	veq.s32 v33, v16  }
0x37: {  	[tilespmem:$0xB0] =	vst v38;
	v59 =	vsel vm2, $0x3F800000, v1;
	v63 =	vsel vm1, $0x3F800000, v1;
	vm1 =	veq.s32 v34, v16  }
0x38: {  	[tilespmem:$0xC0] =	vst v39;
	vm2 =	veq.s32 v34, v23;
	v48 =	vadd.f32 v49, v60;
	v49 =	vsel vm1, $0x3F800000, v1  }
0x39: {  	[tilespmem:$0xD0] =	vst v40;
	v35 =	vadd.f32 v62, v61;
	vm1 =	veq.s32 v33, v17;
	v36 =	vadd.f32 v49, v63  }
0x3a: {  	[tilespmem:$0xE0] =	vst v41;
	v50 =	vsel vm1, $0x3F800000, v1;
	vm1 =	veq.s32 v33, v18;
	v63 =	vsel vm2, $0x3F800000, v1  }
0x3b: {  	[tilespmem:$0xF0] =	vst v42;
	vm2 =	veq.s32 v34, v24;
	v37 =	vadd.f32 v51, v50;
	v52 =	vsel vm1, $0x3F800000, v1  }
0x3c: {  	[tilespmem:$0x140] =	vst v47;
	vm1 =	veq.s32 v33, v19;
	v47 =	vsel vm2, $0x3F800000, v1;
	vm2 =	veq.s32 v34, v26  }
0x3d: {  	[tilespmem:$0x100] =	vst v43;
	v38 =	vadd.f32 v53, v52;
	v54 =	vsel vm1, $0x3F800000, v1;
	vm1 =	veq.s32 v34, v19  }
0x3e: {  	[tilespmem:$0x110] =	vst v44;
	v51 =	vsel vm2, $0x3F800000, v1;
	vm2 =	veq.s32 v34, v27;
	v55 =	vsel vm1, $0x3F800000, v1  }
0x3f: {  	[tilespmem:$0x120] =	vst v45;
	vm1 =	veq.s32 v33, v20;
	v53 =	vsel vm2, $0x3F800000, v1;
	vm2 =	veq.s32 v34, v29  }
0x40: {  	[tilespmem:$0x130] =	vst v46;
	v39 =	vadd.f32 v55, v54;
	v56 =	vsel vm1, $0x3F800000, v1;
	vm1 =	veq.s32 v33, v21  }
0x41: {  	[tilespmem:$0x150] =	vst v48;
	v40 =	vadd.f32 v57, v56;
	v58 =	vsel vm1, $0x3F800000, v1;
	vm1 =	veq.s32 v33, v22  }
0x42: {  	[tilespmem:$0x160] =	vst v35;
	v57 =	vsel vm2, $0x3F800000, v1;
	v60 =	vsel vm1, $0x3F800000, v1;
	vm1 =	veq.s32 v34, v22  }
0x43: {  	[tilespmem:$0x170] =	vst v36;
	vm2 =	veq.s32 v34, v30;
	v61 =	vsel vm1, $0x3F800000, v1;
	vm1 =	veq.s32 v33, v23  }
0x44: {  	[tilespmem:$0x180] =	vst v37;
	v41 =	vadd.f32 v59, v58;
	v62 =	vsel vm1, $0x3F800000, v1;
	vm1 =	veq.s32 v33, v24  }
0x45: {  	[tilespmem:$0x190] =	vst v38;
	v59 =	vsel vm2, $0x3F800000, v1;
	v46 =	vsel vm1, $0x3F800000, v1;
	vm1 =	veq.s32 v33, v25  }
0x46: {  	[tilespmem:$0x1A0] =	vst v39;
	vm2 =	veq.s32 v33, v32;
	v48 =	vsel vm1, $0x3F800000, v1;
	vm1 =	veq.s32 v34, v25  }
0x47: {  	[tilespmem:$0x1B0] =	vst v40;
	v42 =	vadd.f32 v61, v60;
	v49 =	vsel vm1, $0x3F800000, v1;
	vm1 =	veq.s32 v33, v26  }
0x48: {  	[tilespmem:$0x1C0] =	vst v41;
	v45 =	vadd.f32 v63, v62;
	v50 =	vsel vm1, $0x3F800000, v1;
	vm1 =	veq.s32 v33, v27  }
0x49: {  	v36 =	vadd.f32 v47, v46;
	[tilespmem:$0x1D0] =	vst v42;
	v52 =	vsel vm1, $0x3F800000, v1;
	vm1 =	veq.s32 v33, v28  }
0x4a: {  	[tilespmem:$0x1E0] =	vst v45;
	v37 =	vadd.f32 v49, v48;
	v54 =	vsel vm1, $0x3F800000, v1;
	vm1 =	veq.s32 v34, v28  }
0x4b: {  	[tilespmem:$0x1F0] =	vst v36;
	v38 =	vadd.f32 v51, v50;
	v55 =	vsel vm1, $0x3F800000, v1;
	vm1 =	veq.s32 v33, v29  }
0x4c: {  	v39 =	vadd.f32 v53, v52;
	[tilespmem:$0x200] =	vst v37;
	v56 =	vsel vm1, $0x3F800000, v1;
	vm1 =	veq.s32 v33, v30  }
0x4d: {  	[tilespmem:$0x210] =	vst v38;
	v35 =	vadd.f32 v55, v54;
	v58 =	vsel vm1, $0x3F800000, v1;
	vm1 =	veq.s32 v33, v31  }
0x4e: {  	[tilespmem:$0x220] =	vst v39;
	v36 =	vadd.f32 v57, v56;
	v60 =	vsel vm1, $0x3F800000, v1;
	vm1 =	veq.s32 v34, v31  }
0x4f: {  	v37 =	vadd.f32 v59, v58;
	[tilespmem:$0x230] =	vst v35;
	v61 =	vsel vm1, $0x3F800000, v1;
	vm1 =	veq.s32 v34, v32  }
0x50: {  	v62 =	vsel vm2, $0x3F800000, v1;
	[tilespmem:$0x240] =	vst v36;
	v33 =	vadd.f32 v61, v60;
	v63 =	vsel vm1, $0x3F800000, v1  }
0x51: {  	[tilespmem:$0x250] =	vst v37;
	v34 =	vadd.f32 v63, v62  }
0x52: {  	p0 =	sne.s32 s5, $0x1;
	[tilespmem:$0x260] =	vst v33  }
.Ltmp0:
0x53: {  	[tilespmem:$0x270] =	vst v34;
	(pc) =	sbr.rel @p0 .LBB2_1-.Ltmp0, $4  }
0x54: {  	[hbm4b:s4+s10] =	stream.strided.scatter [tilespmem:s10], [sflag:$0x1], $0x200, s9, s10, $0x38;
	[tilespmem:$0x280] =	vst v63  }
0x55: {  	_ =	swait.ge [sflag:s7], $0x200  }
0x56: {  	[sflag:s7] =	ssyncset.done $0x0  }
0x57: {  	s5 =	sadd.s32 $0xFFFFFFFF, s5;
	[sflag:s7] =	ssyncadd.s32 $0xFFFFFE00  }
0x58: {  	_ =	sfence.sel $0x180000  }
0x59: {  	[bflag:$0x0] =	sbarrier.arrive $0xFFFF  }
0x5a: {  	p0 =	sne.s32 s0, $0x0;
	_ =	strace $0x90000047  }
0x5b: {  	s0 =	sadd.s32 @!p0 $0x100000, s1;
	[bflag:$0x2] =	sbarrier.arrive $0xFFFF  }
0x5c: {  	[sflag:s0] =	ssyncadd.tile.s32 @!p0 $0x1;
	_ =	shalt  }
.Lfunc_end2:
_tile_overlayer_lowered:
.L_overlay_start_2:
0x5d: {  	(tag) =	ssettag $0x2  }
0x5e: {  	s0 =	rddreg [dreg:$0x0];
	s2 =	stileid.u32  }
0x5f: {  	s1 =	rddreg [dreg:$0x1];
	p0 =	sne.s32 s2, $0x0  }
0x60: {  	s3 =	rddreg [dreg:$0x2];
	[bflag:$0x3] =	sbarrier.arrive $0xFFFF;
	s2 =	simm.s32 @!p0 $0x1C01  }
0x61: {  	[timem:s3], [sflag:s2] =	dma.local @!p0 [hbm:s0], s1  }
0x62: {  	s0 =	simm.s32 @!p0 $0x1  }
0x63: {  	_ =	swait.ge @!p0 [sflag:s0], s1  }
0x64: {  	s1 =	ssub.s32 @!p0 $0x0, s1;
	[sflag:s0] =	ssyncset.done @!p0 $0x0  }
0x65: {  	[sflag:s0] =	ssyncadd.s32 @!p0 s1  }
0x66: {  	[bflag:$0x3] =	sbarrier.arrive $0xFFFF  }
0x67: {  	_ =	shalt  }

</sc_bundles>
